<compile_context>
chip_gen: v7x
topology: tpu7x:2x2x1
jax: 0.10.2.dev20260603
libtpu: 0.0.44.dev20260713+nightly
codegen_flags: <defaults>
</compile_context>

<pallas_src>
import functools
import math

import jax
import jax.numpy as jnp
from jax import lax
from jax.experimental import pallas as pl
from jax.experimental.pallas import tpu as pltpu
from jax.experimental.pallas import tpu_sc as plsc

D_MODEL = 1024
SCALE = math.sqrt(D_MODEL)

_info = plsc.get_sparse_core_info()
_NC = _info.num_cores
_NS = _info.num_subcores
_LANES = _info.num_lanes
_NW = _NC * _NS

_NG = 4
_NSB = 2


@functools.lru_cache(maxsize=None)
def _make_gather(bsz, seq, V, D, chunk):
    b_per_w = (bsz * seq) // _NW
    assert seq % b_per_w == 0
    w_per_row = seq // b_per_w
    n_chunks = b_per_w // chunk
    assert n_chunks % _NG == 0
    vregs_per_row = D // _LANES
    mesh = plsc.VectorSubcoreMesh(core_axis_name="c", subcore_axis_name="s")

    @functools.partial(
        pl.kernel,
        out_type=jax.ShapeDtypeStruct((bsz, seq, D), jnp.float32),
        mesh=mesh,
        scratch_types=(
            [pltpu.VMEM((b_per_w,), jnp.int32)]
            + [pltpu.VMEM((chunk, D), jnp.float32)] * (_NG + _NSB)
            + [pltpu.SemaphoreType.DMA] * (_NG + _NSB)
        ),
    )
    def k(tok_hbm, table_hbm, out_hbm, idx_v, *bufs_and_sems):
        g = bufs_and_sems[:_NG]
        s = bufs_and_sems[_NG:_NG + _NSB]
        gsem = bufs_and_sems[_NG + _NSB:2 * _NG + _NSB]
        ssem = bufs_and_sems[2 * _NG + _NSB:]

        wid = lax.axis_index("s") * _NC + lax.axis_index("c")
        bi = wid // w_per_row
        si = (wid % w_per_row) * b_per_w
        pltpu.sync_copy(tok_hbm.at[bi, pl.ds(si, b_per_w)], idx_v)

        def idx_slice(off):
            return idx_v.at[pl.ds(pl.multiple_of(off, 8), chunk)]

        def gather_wait(j):
            pltpu.make_async_copy(
                table_hbm.at[pl.ds(0, chunk)], g[j], gsem[j]).wait()

        def store_wait(j):
            pltpu.make_async_copy(
                s[j], out_hbm.at[0, pl.ds(0, chunk)], ssem[j]).wait()

        def scale_chunk(gbuf, sbuf):
            def step(t, _):
                r = lax.div(t, 8)
                col0 = lax.rem(t, 8) * (8 * _LANES)
                for c in range(8):
                    sl = pl.ds(col0 + c * _LANES, _LANES)
                    sbuf[r, sl] = gbuf[r, sl] * SCALE
                return 0
            lax.fori_loop(0, chunk * 8, step, 0)

        for j in range(_NG):
            pltpu.async_copy(table_hbm.at[idx_slice(j * chunk)], g[j], gsem[j])

        def body(i, _):
            for gj in range(_NG):
                q = _NG * i + gj
                sj = gj % _NSB
                off = pl.multiple_of(si + q * chunk, 8)
                gather_wait(gj)
                if gj >= _NSB:
                    store_wait(sj)
                else:
                    @pl.when(i > 0)
                    def _():
                        store_wait(sj)
                scale_chunk(g[gj], s[sj])
                pltpu.async_copy(
                    s[sj], out_hbm.at[bi, pl.ds(off, chunk)], ssem[sj])

                @pl.when(q + _NG < n_chunks)
                def _():
                    noff = pl.multiple_of((q + _NG) * chunk, 8)
                    pltpu.async_copy(
                        table_hbm.at[idx_slice(noff)], g[gj], gsem[gj])
            return 0

        lax.fori_loop(0, n_chunks // _NG, body, 0)
        for j in range(_NSB):
            store_wait(j)

    return k


def kernel(token, embedding):
    b, s = token.shape
    V, D = embedding.shape
    return _make_gather(b, s, V, D, 16)(token.astype(jnp.int32), embedding)

# --- scband reference (transcript-rebuilt; emitter-appended) ---
"""Pipeline reference for scband-token-embedding-19121194402265 (READ-ONLY COPY).

The authoritative reference and input builder live on the scoring server;
editing this copy changes nothing except your own understanding.
"""

import math
import jax, jax.numpy as jnp
import numpy as np

D_MODEL = 1024
VOCAB = 100000

def setup_inputs(seed: int = 0) -> dict:
    key = jax.random.key(seed)
    k_tok, k_emb = jax.random.split(key)
    token = jax.random.randint(k_tok, (4, 4096), 0, VOCAB, dtype=jnp.int64 if jax.config.read('jax_enable_x64') else jnp.int32)
    embedding = jax.random.normal(k_emb, (VOCAB, D_MODEL), dtype=jnp.float32)
    return {"token": token, "embedding": embedding}

def reference(token, embedding):
    # TokenEmbedding.forward: self.embedding(token.long()) * sqrt(d_model)
    tok = token.astype(jnp.int32)
    emb = jnp.take(embedding, tok, axis=0)  # gather rows -> [B, S, d_model]
    return emb * math.sqrt(D_MODEL)

if __name__ == "__main__":
    import jax
    _d = setup_inputs()
    print(jax.jit(kernel)(*tuple(_d.values())))

</pallas_src>

<mosaic_0001>
#map = affine_map<(d0, d1) -> (0, 0)>
#map1 = affine_map<(d0, d1) -> (0, 0, 0)>
module attributes {stable_mosaic.version = 14 : i64} {
  func.func @k(%arg0: i32, %arg1: i32, %arg2: memref<4x4096xi32, #tpu.memory_space<hbm>>, %arg3: memref<100000x1024xf32, #tpu.memory_space<hbm>>, %arg4: memref<4x4096x1024xf32, #tpu.memory_space<hbm>>, %arg5: memref<512xi32, #tpu.memory_space<vmem>>, %arg6: memref<16x1024xf32, #tpu.memory_space<vmem>>, %arg7: memref<16x1024xf32, #tpu.memory_space<vmem>>, %arg8: memref<16x1024xf32, #tpu.memory_space<vmem>>, %arg9: memref<16x1024xf32, #tpu.memory_space<vmem>>, %arg10: memref<16x1024xf32, #tpu.memory_space<vmem>>, %arg11: memref<16x1024xf32, #tpu.memory_space<vmem>>, %arg12: memref<!tpu.dma_semaphore, #tpu.memory_space<semaphore_mem>>, %arg13: memref<!tpu.dma_semaphore, #tpu.memory_space<semaphore_mem>>, %arg14: memref<!tpu.dma_semaphore, #tpu.memory_space<semaphore_mem>>, %arg15: memref<!tpu.dma_semaphore, #tpu.memory_space<semaphore_mem>>, %arg16: memref<!tpu.dma_semaphore, #tpu.memory_space<semaphore_mem>>, %arg17: memref<!tpu.dma_semaphore, #tpu.memory_space<semaphore_mem>>) attributes {dimension_semantics = [#tpu.dimension_semantics<core_parallel>, #tpu.dimension_semantics<subcore_parallel>], iteration_bounds = array<i64: 2, 16>, scalar_prefetch = 0 : i64, scratch_operands = 13 : i64, tpu.core_type = #tpu.core_type<sc_vector_subcore>, window_params = [{transform_indices = #map}, {transform_indices = #map}, {transform_indices = #map1}]} {
    %mul3A = arith.constant 2 : i32
    %mul3A_0 = arith.muli %arg1, %mul3A : i32
    %add3A = arith.addi %mul3A_0, %arg0 : i32
    %jit3A = arith.constant 8 : i32
    %div3A = arith.divsi %add3A, %jit3A : i32
    %sign3A = arith.constant 0 : i32
    %sign3A_1 = arith.cmpi sgt, %add3A, %sign3A : i32
    %sign3A_2 = arith.extui %sign3A_1 : i1 to i32
    %sign3A_3 = arith.constant 0 : i32
    %sign3A_4 = arith.cmpi slt, %add3A, %sign3A_3 : i32
    %sign3A_5 = arith.extui %sign3A_4 : i1 to i32
    %sign3A_6 = arith.subi %sign3A_2, %sign3A_5 : i32
    %sign3A_7 = arith.constant 0 : i32
    %sign3A_8 = arith.cmpi sgt, %jit3A, %sign3A_7 : i32
    %sign3A_9 = arith.extui %sign3A_8 : i1 to i32
    %sign3A_10 = arith.constant 0 : i32
    %sign3A_11 = arith.cmpi slt, %jit3A, %sign3A_10 : i32
    %sign3A_12 = arith.extui %sign3A_11 : i1 to i32
    %sign3A_13 = arith.subi %sign3A_9, %sign3A_12 : i32
    %ne3A = arith.cmpi ne, %sign3A_6, %sign3A_13 : i32
    %rem3A = arith.remsi %add3A, %jit3A : i32
    %ne3A_14 = arith.constant 0 : i32
    %ne3A_15 = arith.cmpi ne, %rem3A, %ne3A_14 : i32
    %and3A = arith.andi %ne3A, %ne3A_15 : i1
    %sub3A = arith.constant 1 : i32
    %sub3A_16 = arith.subi %div3A, %sub3A : i32
    %select_n3A = arith.select %and3A, %sub3A_16, %div3A : i32
    %jit3A_17 = arith.constant 8 : i32
    %eq3A = arith.constant 0 : i32
    %eq3A_18 = arith.cmpi eq, %jit3A_17, %eq3A : i32
    %jit3A_19 = arith.constant 1 : i32
    %select_n3A_20 = arith.select %eq3A_18, %jit3A_19, %jit3A_17 : i32
    %rem3A_21 = arith.remsi %add3A, %select_n3A_20 : i32
    %ne3A_22 = arith.constant 0 : i32
    %ne3A_23 = arith.cmpi ne, %rem3A_21, %ne3A_22 : i32
    %lt3A = arith.constant 0 : i32
    %lt3A_24 = arith.cmpi slt, %rem3A_21, %lt3A : i32
    %lt3A_25 = arith.constant 0 : i32
    %lt3A_26 = arith.cmpi slt, %select_n3A_20, %lt3A_25 : i32
    %ne3A_27 = arith.xori %lt3A_24, %lt3A_26 : i1
    %and3A_28 = arith.andi %ne3A_27, %ne3A_23 : i1
    %add3A_29 = arith.addi %rem3A_21, %select_n3A_20 : i32
    %select_n3A_30 = arith.select %and3A_28, %add3A_29, %rem3A_21 : i32
    %mul3A_31 = arith.constant 512 : i32
    %mul3A_32 = arith.muli %select_n3A_30, %mul3A_31 : i32
    "tpu.region"() ({
      %run_scoped3A = tpu.sem_alloc : memref<!tpu.dma_semaphore, #tpu.memory_space<semaphore_mem>>
      %dma_start3A_78 = tpu.memref_slice %arg2[%select_n3A, %mul3A_32] : memref<4x4096xi32, #tpu.memory_space<hbm>> -> memref<1x512xi32, #tpu.memory_space<hbm>>
      %dma_start3A_79 = tpu.memref_squeeze %dma_start3A_78 : memref<1x512xi32, #tpu.memory_space<hbm>> -> memref<512xi32, #tpu.memory_space<hbm>>
      %dma_start3A_80 = tpu.memref_slice %arg2[%select_n3A, %mul3A_32] : memref<4x4096xi32, #tpu.memory_space<hbm>> -> memref<1x512xi32, #tpu.memory_space<hbm>>
      %dma_start3A_81 = tpu.memref_squeeze %dma_start3A_80 : memref<1x512xi32, #tpu.memory_space<hbm>> -> memref<512xi32, #tpu.memory_space<hbm>>
      tpu.enqueue_dma source(%dma_start3A_81 : memref<512xi32, #tpu.memory_space<hbm>>) target(%arg5 : memref<512xi32, #tpu.memory_space<vmem>>) target_semaphore(%run_scoped3A : memref<!tpu.dma_semaphore, #tpu.memory_space<semaphore_mem>>)
      %dma_wait3A_82 = tpu.memref_slice %arg2[%select_n3A, %mul3A_32] : memref<4x4096xi32, #tpu.memory_space<hbm>> -> memref<1x512xi32, #tpu.memory_space<hbm>>
      %dma_wait3A_83 = tpu.memref_squeeze %dma_wait3A_82 : memref<1x512xi32, #tpu.memory_space<hbm>> -> memref<512xi32, #tpu.memory_space<hbm>>
      %dma_wait3A_84 = tpu.memref_slice %arg2[%select_n3A, %mul3A_32] : memref<4x4096xi32, #tpu.memory_space<hbm>> -> memref<1x512xi32, #tpu.memory_space<hbm>>
      %dma_wait3A_85 = tpu.memref_squeeze %dma_wait3A_84 : memref<1x512xi32, #tpu.memory_space<hbm>> -> memref<512xi32, #tpu.memory_space<hbm>>
      tpu.wait_dma2 semaphore(%run_scoped3A : memref<!tpu.dma_semaphore, #tpu.memory_space<semaphore_mem>>) src(%dma_wait3A_85 : memref<512xi32, #tpu.memory_space<hbm>>) dst(%arg5 : memref<512xi32, #tpu.memory_space<vmem>>)
      tpu.yield
    }) : () -> ()
    %multiple_of3A = arith.constant 0 : i32
    %multiple_of3A_33 = tpu.assume_multiple %multiple_of3A, 8 : i32
    %dma_start3A = tpu.memref_slice %arg5[%multiple_of3A_33] : memref<512xi32, #tpu.memory_space<vmem>> -> memref<16xi32, #tpu.memory_space<vmem>>
    %dma_start3A_34 = arith.constant 0 : i32
    %dma_start3A_35 = arith.constant 0 : i32
    %dma_start3A_36 = tpu.memref_slice %arg3[%dma_start3A_34, %dma_start3A_35] : memref<100000x1024xf32, #tpu.memory_space<hbm>> -> memref<100000x1024xf32, #tpu.memory_space<hbm>>
    tpu.enqueue_indirect_dma source(%dma_start3A_36 : memref<100000x1024xf32, #tpu.memory_space<hbm>>) target(%arg6 : memref<16x1024xf32, #tpu.memory_space<vmem>>) offsets(%dma_start3A : memref<16xi32, #tpu.memory_space<vmem>>) semaphore(%arg12 : memref<!tpu.dma_semaphore, #tpu.memory_space<semaphore_mem>>)
    %multiple_of3A_37 = arith.constant 16 : i32
    %multiple_of3A_38 = tpu.assume_multiple %multiple_of3A_37, 8 : i32
    %dma_start3A_39 = tpu.memref_slice %arg5[%multiple_of3A_38] : memref<512xi32, #tpu.memory_space<vmem>> -> memref<16xi32, #tpu.memory_space<vmem>>
    %dma_start3A_40 = arith.constant 0 : i32
    %dma_start3A_41 = arith.constant 0 : i32
    %dma_start3A_42 = tpu.memref_slice %arg3[%dma_start3A_40, %dma_start3A_41] : memref<100000x1024xf32, #tpu.memory_space<hbm>> -> memref<100000x1024xf32, #tpu.memory_space<hbm>>
    tpu.enqueue_indirect_dma source(%dma_start3A_42 : memref<100000x1024xf32, #tpu.memory_space<hbm>>) target(%arg7 : memref<16x1024xf32, #tpu.memory_space<vmem>>) offsets(%dma_start3A_39 : memref<16xi32, #tpu.memory_space<vmem>>) semaphore(%arg13 : memref<!tpu.dma_semaphore, #tpu.memory_space<semaphore_mem>>)
    %multiple_of3A_43 = arith.constant 32 : i32
    %multiple_of3A_44 = tpu.assume_multiple %multiple_of3A_43, 8 : i32
    %dma_start3A_45 = tpu.memref_slice %arg5[%multiple_of3A_44] : memref<512xi32, #tpu.memory_space<vmem>> -> memref<16xi32, #tpu.memory_space<vmem>>
    %dma_start3A_46 = arith.constant 0 : i32
    %dma_start3A_47 = arith.constant 0 : i32
    %dma_start3A_48 = tpu.memref_slice %arg3[%dma_start3A_46, %dma_start3A_47] : memref<100000x1024xf32, #tpu.memory_space<hbm>> -> memref<100000x1024xf32, #tpu.memory_space<hbm>>
    tpu.enqueue_indirect_dma source(%dma_start3A_48 : memref<100000x1024xf32, #tpu.memory_space<hbm>>) target(%arg8 : memref<16x1024xf32, #tpu.memory_space<vmem>>) offsets(%dma_start3A_45 : memref<16xi32, #tpu.memory_space<vmem>>) semaphore(%arg14 : memref<!tpu.dma_semaphore, #tpu.memory_space<semaphore_mem>>)
    %multiple_of3A_49 = arith.constant 48 : i32
    %multiple_of3A_50 = tpu.assume_multiple %multiple_of3A_49, 8 : i32
    %dma_start3A_51 = tpu.memref_slice %arg5[%multiple_of3A_50] : memref<512xi32, #tpu.memory_space<vmem>> -> memref<16xi32, #tpu.memory_space<vmem>>
    %dma_start3A_52 = arith.constant 0 : i32
    %dma_start3A_53 = arith.constant 0 : i32
    %dma_start3A_54 = tpu.memref_slice %arg3[%dma_start3A_52, %dma_start3A_53] : memref<100000x1024xf32, #tpu.memory_space<hbm>> -> memref<100000x1024xf32, #tpu.memory_space<hbm>>
    tpu.enqueue_indirect_dma source(%dma_start3A_54 : memref<100000x1024xf32, #tpu.memory_space<hbm>>) target(%arg9 : memref<16x1024xf32, #tpu.memory_space<vmem>>) offsets(%dma_start3A_51 : memref<16xi32, #tpu.memory_space<vmem>>) semaphore(%arg15 : memref<!tpu.dma_semaphore, #tpu.memory_space<semaphore_mem>>)
    %scan3A = arith.constant 0 : i32
    %scan3A_55 = arith.constant 0 : i32
    %scan3A_56 = arith.constant 8 : i32
    %scan3A_57 = arith.addi %scan3A_55, %scan3A_56 : i32
    %scan3A_58 = arith.constant 1 : i32
    %scan3A_59 = scf.for %scan3A_78 = %scan3A_55 to %scan3A_57 step %scan3A_58 iter_args(%scan3A_79 = %scan3A) -> (i32)  : i32 {
      %mul3A_80 = arith.constant 4 : i32
      %mul3A_81 = arith.muli %mul3A_80, %scan3A_78 : i32
      %add3A_82 = arith.constant 0 : i32
      %add3A_83 = arith.addi %mul3A_81, %add3A_82 : i32
      %mul3A_84 = arith.constant 16 : i32
      %mul3A_85 = arith.muli %add3A_83, %mul3A_84 : i32
      %add3A_86 = arith.addi %mul3A_32, %mul3A_85 : i32
      %multiple_of3A_87 = tpu.assume_multiple %add3A_86, 8 : i32
      %dma_wait3A_88 = arith.constant 0 : i32
      %dma_wait3A_89 = arith.constant 0 : i32
      %dma_wait3A_90 = tpu.memref_slice %arg3[%dma_wait3A_88, %dma_wait3A_89] : memref<100000x1024xf32, #tpu.memory_space<hbm>> -> memref<16x1024xf32, #tpu.memory_space<hbm>>
      %dma_wait3A_91 = arith.constant 0 : i32
      %dma_wait3A_92 = arith.constant 0 : i32
      %dma_wait3A_93 = tpu.memref_slice %arg3[%dma_wait3A_91, %dma_wait3A_92] : memref<100000x1024xf32, #tpu.memory_space<hbm>> -> memref<16x1024xf32, #tpu.memory_space<hbm>>
      tpu.wait_dma2 semaphore(%arg12 : memref<!tpu.dma_semaphore, #tpu.memory_space<semaphore_mem>>) src(%dma_wait3A_93 : memref<16x1024xf32, #tpu.memory_space<hbm>>) dst(%arg6 : memref<16x1024xf32, #tpu.memory_space<vmem>>)
      %gt3A = arith.constant 0 : i32
      %gt3A_94 = arith.cmpi sgt, %scan3A_78, %gt3A : i32
      %convert_element_type3A = arith.extui %gt3A_94 : i1 to i32
      %cond3A = arith.constant 0 : i32
      %cond3A_95 = arith.cmpi ne, %convert_element_type3A, %cond3A : i32
      scf.if %cond3A_95 {
        %dma_wait3A_242 = arith.constant 0 : i32
        %dma_wait3A_243 = arith.constant 0 : i32
        %dma_wait3A_244 = arith.constant 0 : i32
        %dma_wait3A_245 = tpu.memref_slice %arg4[%dma_wait3A_242, %dma_wait3A_243, %dma_wait3A_244] : memref<4x4096x1024xf32, #tpu.memory_space<hbm>> -> memref<1x16x1024xf32, #tpu.memory_space<hbm>>
        %dma_wait3A_246 = tpu.memref_squeeze %dma_wait3A_245 : memref<1x16x1024xf32, #tpu.memory_space<hbm>> -> memref<16x1024xf32, #tpu.memory_space<hbm>>
        %dma_wait3A_247 = arith.constant 0 : i32
        %dma_wait3A_248 = arith.constant 0 : i32
        %dma_wait3A_249 = tpu.memref_slice %arg4[%dma_wait3A_242, %dma_wait3A_247, %dma_wait3A_248] : memref<4x4096x1024xf32, #tpu.memory_space<hbm>> -> memref<1x16x1024xf32, #tpu.memory_space<hbm>>
        %dma_wait3A_250 = tpu.memref_squeeze %dma_wait3A_249 : memref<1x16x1024xf32, #tpu.memory_space<hbm>> -> memref<16x1024xf32, #tpu.memory_space<hbm>>
        tpu.wait_dma2 semaphore(%arg16 : memref<!tpu.dma_semaphore, #tpu.memory_space<semaphore_mem>>) src(%arg10 : memref<16x1024xf32, #tpu.memory_space<vmem>>) dst(%dma_wait3A_250 : memref<16x1024xf32, #tpu.memory_space<hbm>>)
      } else {
      }
      %scan3A_96 = arith.constant 0 : i32
      %scan3A_97 = arith.constant 0 : i32
      %scan3A_98 = arith.constant 128 : i32
      %scan3A_99 = arith.addi %scan3A_97, %scan3A_98 : i32
      %scan3A_100 = arith.constant 1 : i32
      %scan3A_101 = scf.for %scan3A_242 = %scan3A_97 to %scan3A_99 step %scan3A_100 iter_args(%scan3A_243 = %scan3A_96) -> (i32)  : i32 {
        %div3A_244 = arith.constant 8 : i32
        %div3A_245 = arith.divsi %scan3A_242, %div3A_244 : i32
        %rem3A_246 = arith.constant 8 : i32
        %rem3A_247 = arith.remsi %scan3A_242, %rem3A_246 : i32
        %mul3A_248 = arith.constant 128 : i32
        %mul3A_249 = arith.muli %rem3A_247, %mul3A_248 : i32
        %add3A_250 = arith.constant 0 : i32
        %add3A_251 = arith.addi %mul3A_249, %add3A_250 : i32
        %get3A = arith.index_cast %div3A_245 : i32 to index
        %get3A_252 = arith.index_cast %add3A_251 : i32 to index
        %get3A_253 = tpu.vector_load %arg6[%get3A, %get3A_252] {strides = array<i32>} : memref<16x1024xf32, #tpu.memory_space<vmem>>, vector<1x16xf32>,
        %get3A_254 = vector.shape_cast %get3A_253 : vector<1x16xf32> to vector<16xf32>
        %mul3A_255 = arith.constant 3.200000e+01 : f32
        %mul3A_256 = vector.broadcast %mul3A_255 : f32 to vector<16xf32>
        %mul3A_257 = arith.mulf %get3A_254, %mul3A_256 : vector<16xf32>
        %swap3A = arith.index_cast %div3A_245 : i32 to index
        %swap3A_258 = arith.index_cast %add3A_251 : i32 to index
        %swap3A_259 = tpu.vector_load %arg10[%swap3A, %swap3A_258] {strides = array<i32>} : memref<16x1024xf32, #tpu.memory_space<vmem>>, vector<1x16xf32>,
        %swap3A_260 = vector.shape_cast %swap3A_259 : vector<1x16xf32> to vector<16xf32>
        %swap3A_261 = vector.shape_cast %mul3A_257 : vector<16xf32> to vector<1x16xf32>
        tpu.vector_store %arg10[%swap3A, %swap3A_258], %swap3A_261 {strides = array<i32>} : memref<16x1024xf32, #tpu.memory_space<vmem>>, vector<1x16xf32>,
        %add3A_262 = arith.constant 16 : i32
        %add3A_263 = arith.addi %mul3A_249, %add3A_262 : i32
        %get3A_264 = arith.index_cast %div3A_245 : i32 to index
        %get3A_265 = arith.index_cast %add3A_263 : i32 to index
        %get3A_266 = tpu.vector_load %arg6[%get3A_264, %get3A_265] {strides = array<i32>} : memref<16x1024xf32, #tpu.memory_space<vmem>>, vector<1x16xf32>,
        %get3A_267 = vector.shape_cast %get3A_266 : vector<1x16xf32> to vector<16xf32>
        %mul3A_268 = arith.constant 3.200000e+01 : f32
        %mul3A_269 = vector.broadcast %mul3A_268 : f32 to vector<16xf32>
        %mul3A_270 = arith.mulf %get3A_267, %mul3A_269 : vector<16xf32>
        %swap3A_271 = arith.index_cast %div3A_245 : i32 to index
        %swap3A_272 = arith.index_cast %add3A_263 : i32 to index
        %swap3A_273 = tpu.vector_load %arg10[%swap3A_271, %swap3A_272] {strides = array<i32>} : memref<16x1024xf32, #tpu.memory_space<vmem>>, vector<1x16xf32>,
        %swap3A_274 = vector.shape_cast %swap3A_273 : vector<1x16xf32> to vector<16xf32>
        %swap3A_275 = vector.shape_cast %mul3A_270 : vector<16xf32> to vector<1x16xf32>
        tpu.vector_store %arg10[%swap3A_271, %swap3A_272], %swap3A_275 {strides = array<i32>} : memref<16x1024xf32, #tpu.memory_space<vmem>>, vector<1x16xf32>,
        %add3A_276 = arith.constant 32 : i32
        %add3A_277 = arith.addi %mul3A_249, %add3A_276 : i32
        %get3A_278 = arith.index_cast %div3A_245 : i32 to index
        %get3A_279 = arith.index_cast %add3A_277 : i32 to index
        %get3A_280 = tpu.vector_load %arg6[%get3A_278, %get3A_279] {strides = array<i32>} : memref<16x1024xf32, #tpu.memory_space<vmem>>, vector<1x16xf32>,
        %get3A_281 = vector.shape_cast %get3A_280 : vector<1x16xf32> to vector<16xf32>
        %mul3A_282 = arith.constant 3.200000e+01 : f32
        %mul3A_283 = vector.broadcast %mul3A_282 : f32 to vector<16xf32>
        %mul3A_284 = arith.mulf %get3A_281, %mul3A_283 : vector<16xf32>
        %swap3A_285 = arith.index_cast %div3A_245 : i32 to index
        %swap3A_286 = arith.index_cast %add3A_277 : i32 to index
        %swap3A_287 = tpu.vector_load %arg10[%swap3A_285, %swap3A_286] {strides = array<i32>} : memref<16x1024xf32, #tpu.memory_space<vmem>>, vector<1x16xf32>,
        %swap3A_288 = vector.shape_cast %swap3A_287 : vector<1x16xf32> to vector<16xf32>
        %swap3A_289 = vector.shape_cast %mul3A_284 : vector<16xf32> to vector<1x16xf32>
        tpu.vector_store %arg10[%swap3A_285, %swap3A_286], %swap3A_289 {strides = array<i32>} : memref<16x1024xf32, #tpu.memory_space<vmem>>, vector<1x16xf32>,
        %add3A_290 = arith.constant 48 : i32
        %add3A_291 = arith.addi %mul3A_249, %add3A_290 : i32
        %get3A_292 = arith.index_cast %div3A_245 : i32 to index
        %get3A_293 = arith.index_cast %add3A_291 : i32 to index
        %get3A_294 = tpu.vector_load %arg6[%get3A_292, %get3A_293] {strides = array<i32>} : memref<16x1024xf32, #tpu.memory_space<vmem>>, vector<1x16xf32>,
        %get3A_295 = vector.shape_cast %get3A_294 : vector<1x16xf32> to vector<16xf32>
        %mul3A_296 = arith.constant 3.200000e+01 : f32
        %mul3A_297 = vector.broadcast %mul3A_296 : f32 to vector<16xf32>
        %mul3A_298 = arith.mulf %get3A_295, %mul3A_297 : vector<16xf32>
        %swap3A_299 = arith.index_cast %div3A_245 : i32 to index
        %swap3A_300 = arith.index_cast %add3A_291 : i32 to index
        %swap3A_301 = tpu.vector_load %arg10[%swap3A_299, %swap3A_300] {strides = array<i32>} : memref<16x1024xf32, #tpu.memory_space<vmem>>, vector<1x16xf32>,
        %swap3A_302 = vector.shape_cast %swap3A_301 : vector<1x16xf32> to vector<16xf32>
        %swap3A_303 = vector.shape_cast %mul3A_298 : vector<16xf32> to vector<1x16xf32>
        tpu.vector_store %arg10[%swap3A_299, %swap3A_300], %swap3A_303 {strides = array<i32>} : memref<16x1024xf32, #tpu.memory_space<vmem>>, vector<1x16xf32>,
        %add3A_304 = arith.constant 64 : i32
        %add3A_305 = arith.addi %mul3A_249, %add3A_304 : i32
        %get3A_306 = arith.index_cast %div3A_245 : i32 to index
        %get3A_307 = arith.index_cast %add3A_305 : i32 to index
        %get3A_308 = tpu.vector_load %arg6[%get3A_306, %get3A_307] {strides = array<i32>} : memref<16x1024xf32, #tpu.memory_space<vmem>>, vector<1x16xf32>,
        %get3A_309 = vector.shape_cast %get3A_308 : vector<1x16xf32> to vector<16xf32>
        %mul3A_310 = arith.constant 3.200000e+01 : f32
        %mul3A_311 = vector.broadcast %mul3A_310 : f32 to vector<16xf32>
        %mul3A_312 = arith.mulf %get3A_309, %mul3A_311 : vector<16xf32>
        %swap3A_313 = arith.index_cast %div3A_245 : i32 to index
        %swap3A_314 = arith.index_cast %add3A_305 : i32 to index
        %swap3A_315 = tpu.vector_load %arg10[%swap3A_313, %swap3A_314] {strides = array<i32>} : memref<16x1024xf32, #tpu.memory_space<vmem>>, vector<1x16xf32>,
        %swap3A_316 = vector.shape_cast %swap3A_315 : vector<1x16xf32> to vector<16xf32>
        %swap3A_317 = vector.shape_cast %mul3A_312 : vector<16xf32> to vector<1x16xf32>
        tpu.vector_store %arg10[%swap3A_313, %swap3A_314], %swap3A_317 {strides = array<i32>} : memref<16x1024xf32, #tpu.memory_space<vmem>>, vector<1x16xf32>,
        %add3A_318 = arith.constant 80 : i32
        %add3A_319 = arith.addi %mul3A_249, %add3A_318 : i32
        %get3A_320 = arith.index_cast %div3A_245 : i32 to index
        %get3A_321 = arith.index_cast %add3A_319 : i32 to index
        %get3A_322 = tpu.vector_load %arg6[%get3A_320, %get3A_321] {strides = array<i32>} : memref<16x1024xf32, #tpu.memory_space<vmem>>, vector<1x16xf32>,
        %get3A_323 = vector.shape_cast %get3A_322 : vector<1x16xf32> to vector<16xf32>
        %mul3A_324 = arith.constant 3.200000e+01 : f32
        %mul3A_325 = vector.broadcast %mul3A_324 : f32 to vector<16xf32>
        %mul3A_326 = arith.mulf %get3A_323, %mul3A_325 : vector<16xf32>
        %swap3A_327 = arith.index_cast %div3A_245 : i32 to index
        %swap3A_328 = arith.index_cast %add3A_319 : i32 to index
        %swap3A_329 = tpu.vector_load %arg10[%swap3A_327, %swap3A_328] {strides = array<i32>} : memref<16x1024xf32, #tpu.memory_space<vmem>>, vector<1x16xf32>,
        %swap3A_330 = vector.shape_cast %swap3A_329 : vector<1x16xf32> to vector<16xf32>
        %swap3A_331 = vector.shape_cast %mul3A_326 : vector<16xf32> to vector<1x16xf32>
        tpu.vector_store %arg10[%swap3A_327, %swap3A_328], %swap3A_331 {strides = array<i32>} : memref<16x1024xf32, #tpu.memory_space<vmem>>, vector<1x16xf32>,
        %add3A_332 = arith.constant 96 : i32
        %add3A_333 = arith.addi %mul3A_249, %add3A_332 : i32
        %get3A_334 = arith.index_cast %div3A_245 : i32 to index
        %get3A_335 = arith.index_cast %add3A_333 : i32 to index
        %get3A_336 = tpu.vector_load %arg6[%get3A_334, %get3A_335] {strides = array<i32>} : memref<16x1024xf32, #tpu.memory_space<vmem>>, vector<1x16xf32>,
        %get3A_337 = vector.shape_cast %get3A_336 : vector<1x16xf32> to vector<16xf32>
        %mul3A_338 = arith.constant 3.200000e+01 : f32
        %mul3A_339 = vector.broadcast %mul3A_338 : f32 to vector<16xf32>
        %mul3A_340 = arith.mulf %get3A_337, %mul3A_339 : vector<16xf32>
        %swap3A_341 = arith.index_cast %div3A_245 : i32 to index
        %swap3A_342 = arith.index_cast %add3A_333 : i32 to index
        %swap3A_343 = tpu.vector_load %arg10[%swap3A_341, %swap3A_342] {strides = array<i32>} : memref<16x1024xf32, #tpu.memory_space<vmem>>, vector<1x16xf32>,
        %swap3A_344 = vector.shape_cast %swap3A_343 : vector<1x16xf32> to vector<16xf32>
        %swap3A_345 = vector.shape_cast %mul3A_340 : vector<16xf32> to vector<1x16xf32>
        tpu.vector_store %arg10[%swap3A_341, %swap3A_342], %swap3A_345 {strides = array<i32>} : memref<16x1024xf32, #tpu.memory_space<vmem>>, vector<1x16xf32>,
        %add3A_346 = arith.constant 112 : i32
        %add3A_347 = arith.addi %mul3A_249, %add3A_346 : i32
        %get3A_348 = arith.index_cast %div3A_245 : i32 to index
        %get3A_349 = arith.index_cast %add3A_347 : i32 to index
        %get3A_350 = tpu.vector_load %arg6[%get3A_348, %get3A_349] {strides = array<i32>} : memref<16x1024xf32, #tpu.memory_space<vmem>>, vector<1x16xf32>,
        %get3A_351 = vector.shape_cast %get3A_350 : vector<1x16xf32> to vector<16xf32>
        %mul3A_352 = arith.constant 3.200000e+01 : f32
        %mul3A_353 = vector.broadcast %mul3A_352 : f32 to vector<16xf32>
        %mul3A_354 = arith.mulf %get3A_351, %mul3A_353 : vector<16xf32>
        %swap3A_355 = arith.index_cast %div3A_245 : i32 to index
        %swap3A_356 = arith.index_cast %add3A_347 : i32 to index
        %swap3A_357 = tpu.vector_load %arg10[%swap3A_355, %swap3A_356] {strides = array<i32>} : memref<16x1024xf32, #tpu.memory_space<vmem>>, vector<1x16xf32>,
        %swap3A_358 = vector.shape_cast %swap3A_357 : vector<1x16xf32> to vector<16xf32>
        %swap3A_359 = vector.shape_cast %mul3A_354 : vector<16xf32> to vector<1x16xf32>
        tpu.vector_store %arg10[%swap3A_355, %swap3A_356], %swap3A_359 {strides = array<i32>} : memref<16x1024xf32, #tpu.memory_space<vmem>>, vector<1x16xf32>,
        %scan3A_360 = arith.constant 0 : i32
        scf.yield %scan3A_360 : i32
      }
      %scan3A_102 = arith.constant 128 : i32
      %dma_start3A_103 = arith.constant 0 : i32
      %dma_start3A_104 = tpu.memref_slice %arg4[%select_n3A, %multiple_of3A_87, %dma_start3A_103] : memref<4x4096x1024xf32, #tpu.memory_space<hbm>> -> memref<1x16x1024xf32, #tpu.memory_space<hbm>>
      %dma_start3A_105 = tpu.memref_squeeze %dma_start3A_104 : memref<1x16x1024xf32, #tpu.memory_space<hbm>> -> memref<16x1024xf32, #tpu.memory_space<hbm>>
      %dma_start3A_106 = arith.constant 0 : i32
      %dma_start3A_107 = tpu.memref_slice %arg4[%select_n3A, %multiple_of3A_87, %dma_start3A_106] : memref<4x4096x1024xf32, #tpu.memory_space<hbm>> -> memref<1x16x1024xf32, #tpu.memory_space<hbm>>
      %dma_start3A_108 = tpu.memref_squeeze %dma_start3A_107 : memref<1x16x1024xf32, #tpu.memory_space<hbm>> -> memref<16x1024xf32, #tpu.memory_space<hbm>>
      tpu.enqueue_dma source(%arg10 : memref<16x1024xf32, #tpu.memory_space<vmem>>) target(%dma_start3A_108 : memref<16x1024xf32, #tpu.memory_space<hbm>>) target_semaphore(%arg16 : memref<!tpu.dma_semaphore, #tpu.memory_space<semaphore_mem>>)
      %add3A_109 = arith.constant 4 : i32
      %add3A_110 = arith.addi %add3A_83, %add3A_109 : i32
      %lt3A_111 = arith.constant 32 : i32
      %lt3A_112 = arith.cmpi slt, %add3A_110, %lt3A_111 : i32
      %convert_element_type3A_113 = arith.extui %lt3A_112 : i1 to i32
      %cond3A_114 = arith.constant 0 : i32
      %cond3A_115 = arith.cmpi ne, %convert_element_type3A_113, %cond3A_114 : i32
      scf.if %cond3A_115 {
        %add3A_242 = arith.constant 4 : i32
        %add3A_243 = arith.addi %add3A_83, %add3A_242 : i32
        %mul3A_244 = arith.constant 16 : i32
        %mul3A_245 = arith.muli %add3A_243, %mul3A_244 : i32
        %multiple_of3A_246 = tpu.assume_multiple %mul3A_245, 8 : i32
        %multiple_of3A_247 = tpu.assume_multiple %multiple_of3A_246, 8 : i32
        %dma_start3A_248 = tpu.memref_slice %arg5[%multiple_of3A_247] : memref<512xi32, #tpu.memory_space<vmem>> -> memref<16xi32, #tpu.memory_space<vmem>>
        %dma_start3A_249 = arith.constant 0 : i32
        %dma_start3A_250 = arith.constant 0 : i32
        %dma_start3A_251 = tpu.memref_slice %arg3[%dma_start3A_249, %dma_start3A_250] : memref<100000x1024xf32, #tpu.memory_space<hbm>> -> memref<100000x1024xf32, #tpu.memory_space<hbm>>
        tpu.enqueue_indirect_dma source(%dma_start3A_251 : memref<100000x1024xf32, #tpu.memory_space<hbm>>) target(%arg6 : memref<16x1024xf32, #tpu.memory_space<vmem>>) offsets(%dma_start3A_248 : memref<16xi32, #tpu.memory_space<vmem>>) semaphore(%arg12 : memref<!tpu.dma_semaphore, #tpu.memory_space<semaphore_mem>>)
      } else {
      }
      %mul3A_116 = arith.constant 4 : i32
      %mul3A_117 = arith.muli %mul3A_116, %scan3A_78 : i32
      %add3A_118 = arith.constant 1 : i32
      %add3A_119 = arith.addi %mul3A_117, %add3A_118 : i32
      %mul3A_120 = arith.constant 16 : i32
      %mul3A_121 = arith.muli %add3A_119, %mul3A_120 : i32
      %add3A_122 = arith.addi %mul3A_32, %mul3A_121 : i32
      %multiple_of3A_123 = tpu.assume_multiple %add3A_122, 8 : i32
      %dma_wait3A_124 = arith.constant 0 : i32
      %dma_wait3A_125 = arith.constant 0 : i32
      %dma_wait3A_126 = tpu.memref_slice %arg3[%dma_wait3A_124, %dma_wait3A_125] : memref<100000x1024xf32, #tpu.memory_space<hbm>> -> memref<16x1024xf32, #tpu.memory_space<hbm>>
      %dma_wait3A_127 = arith.constant 0 : i32
      %dma_wait3A_128 = arith.constant 0 : i32
      %dma_wait3A_129 = tpu.memref_slice %arg3[%dma_wait3A_127, %dma_wait3A_128] : memref<100000x1024xf32, #tpu.memory_space<hbm>> -> memref<16x1024xf32, #tpu.memory_space<hbm>>
      tpu.wait_dma2 semaphore(%arg13 : memref<!tpu.dma_semaphore, #tpu.memory_space<semaphore_mem>>) src(%dma_wait3A_129 : memref<16x1024xf32, #tpu.memory_space<hbm>>) dst(%arg7 : memref<16x1024xf32, #tpu.memory_space<vmem>>)
      %gt3A_130 = arith.constant 0 : i32
      %gt3A_131 = arith.cmpi sgt, %scan3A_78, %gt3A_130 : i32
      %convert_element_type3A_132 = arith.extui %gt3A_131 : i1 to i32
      %cond3A_133 = arith.constant 0 : i32
      %cond3A_134 = arith.cmpi ne, %convert_element_type3A_132, %cond3A_133 : i32
      scf.if %cond3A_134 {
        %dma_wait3A_242 = arith.constant 0 : i32
        %dma_wait3A_243 = arith.constant 0 : i32
        %dma_wait3A_244 = arith.constant 0 : i32
        %dma_wait3A_245 = tpu.memref_slice %arg4[%dma_wait3A_242, %dma_wait3A_243, %dma_wait3A_244] : memref<4x4096x1024xf32, #tpu.memory_space<hbm>> -> memref<1x16x1024xf32, #tpu.memory_space<hbm>>
        %dma_wait3A_246 = tpu.memref_squeeze %dma_wait3A_245 : memref<1x16x1024xf32, #tpu.memory_space<hbm>> -> memref<16x1024xf32, #tpu.memory_space<hbm>>
        %dma_wait3A_247 = arith.constant 0 : i32
        %dma_wait3A_248 = arith.constant 0 : i32
        %dma_wait3A_249 = tpu.memref_slice %arg4[%dma_wait3A_242, %dma_wait3A_247, %dma_wait3A_248] : memref<4x4096x1024xf32, #tpu.memory_space<hbm>> -> memref<1x16x1024xf32, #tpu.memory_space<hbm>>
        %dma_wait3A_250 = tpu.memref_squeeze %dma_wait3A_249 : memref<1x16x1024xf32, #tpu.memory_space<hbm>> -> memref<16x1024xf32, #tpu.memory_space<hbm>>
        tpu.wait_dma2 semaphore(%arg17 : memref<!tpu.dma_semaphore, #tpu.memory_space<semaphore_mem>>) src(%arg11 : memref<16x1024xf32, #tpu.memory_space<vmem>>) dst(%dma_wait3A_250 : memref<16x1024xf32, #tpu.memory_space<hbm>>)
      } else {
      }
      %scan3A_135 = arith.constant 0 : i32
      %scan3A_136 = arith.constant 0 : i32
      %scan3A_137 = arith.constant 128 : i32
      %scan3A_138 = arith.addi %scan3A_136, %scan3A_137 : i32
      %scan3A_139 = arith.constant 1 : i32
      %scan3A_140 = scf.for %scan3A_242 = %scan3A_136 to %scan3A_138 step %scan3A_139 iter_args(%scan3A_243 = %scan3A_135) -> (i32)  : i32 {
        %div3A_244 = arith.constant 8 : i32
        %div3A_245 = arith.divsi %scan3A_242, %div3A_244 : i32
        %rem3A_246 = arith.constant 8 : i32
        %rem3A_247 = arith.remsi %scan3A_242, %rem3A_246 : i32
        %mul3A_248 = arith.constant 128 : i32
        %mul3A_249 = arith.muli %rem3A_247, %mul3A_248 : i32
        %add3A_250 = arith.constant 0 : i32
        %add3A_251 = arith.addi %mul3A_249, %add3A_250 : i32
        %get3A = arith.index_cast %div3A_245 : i32 to index
        %get3A_252 = arith.index_cast %add3A_251 : i32 to index
        %get3A_253 = tpu.vector_load %arg7[%get3A, %get3A_252] {strides = array<i32>} : memref<16x1024xf32, #tpu.memory_space<vmem>>, vector<1x16xf32>,
        %get3A_254 = vector.shape_cast %get3A_253 : vector<1x16xf32> to vector<16xf32>
        %mul3A_255 = arith.constant 3.200000e+01 : f32
        %mul3A_256 = vector.broadcast %mul3A_255 : f32 to vector<16xf32>
        %mul3A_257 = arith.mulf %get3A_254, %mul3A_256 : vector<16xf32>
        %swap3A = arith.index_cast %div3A_245 : i32 to index
        %swap3A_258 = arith.index_cast %add3A_251 : i32 to index
        %swap3A_259 = tpu.vector_load %arg11[%swap3A, %swap3A_258] {strides = array<i32>} : memref<16x1024xf32, #tpu.memory_space<vmem>>, vector<1x16xf32>,
        %swap3A_260 = vector.shape_cast %swap3A_259 : vector<1x16xf32> to vector<16xf32>
        %swap3A_261 = vector.shape_cast %mul3A_257 : vector<16xf32> to vector<1x16xf32>
        tpu.vector_store %arg11[%swap3A, %swap3A_258], %swap3A_261 {strides = array<i32>} : memref<16x1024xf32, #tpu.memory_space<vmem>>, vector<1x16xf32>,
        %add3A_262 = arith.constant 16 : i32
        %add3A_263 = arith.addi %mul3A_249, %add3A_262 : i32
        %get3A_264 = arith.index_cast %div3A_245 : i32 to index
        %get3A_265 = arith.index_cast %add3A_263 : i32 to index
        %get3A_266 = tpu.vector_load %arg7[%get3A_264, %get3A_265] {strides = array<i32>} : memref<16x1024xf32, #tpu.memory_space<vmem>>, vector<1x16xf32>,
        %get3A_267 = vector.shape_cast %get3A_266 : vector<1x16xf32> to vector<16xf32>
        %mul3A_268 = arith.constant 3.200000e+01 : f32
        %mul3A_269 = vector.broadcast %mul3A_268 : f32 to vector<16xf32>
        %mul3A_270 = arith.mulf %get3A_267, %mul3A_269 : vector<16xf32>
        %swap3A_271 = arith.index_cast %div3A_245 : i32 to index
        %swap3A_272 = arith.index_cast %add3A_263 : i32 to index
        %swap3A_273 = tpu.vector_load %arg11[%swap3A_271, %swap3A_272] {strides = array<i32>} : memref<16x1024xf32, #tpu.memory_space<vmem>>, vector<1x16xf32>,
        %swap3A_274 = vector.shape_cast %swap3A_273 : vector<1x16xf32> to vector<16xf32>
        %swap3A_275 = vector.shape_cast %mul3A_270 : vector<16xf32> to vector<1x16xf32>
        tpu.vector_store %arg11[%swap3A_271, %swap3A_272], %swap3A_275 {strides = array<i32>} : memref<16x1024xf32, #tpu.memory_space<vmem>>, vector<1x16xf32>,
        %add3A_276 = arith.constant 32 : i32
        %add3A_277 = arith.addi %mul3A_249, %add3A_276 : i32
        %get3A_278 = arith.index_cast %div3A_245 : i32 to index
        %get3A_279 = arith.index_cast %add3A_277 : i32 to index
        %get3A_280 = tpu.vector_load %arg7[%get3A_278, %get3A_279] {strides = array<i32>} : memref<16x1024xf32, #tpu.memory_space<vmem>>, vector<1x16xf32>,
        %get3A_281 = vector.shape_cast %get3A_280 : vector<1x16xf32> to vector<16xf32>
        %mul3A_282 = arith.constant 3.200000e+01 : f32
        %mul3A_283 = vector.broadcast %mul3A_282 : f32 to vector<16xf32>
        %mul3A_284 = arith.mulf %get3A_281, %mul3A_283 : vector<16xf32>
        %swap3A_285 = arith.index_cast %div3A_245 : i32 to index
        %swap3A_286 = arith.index_cast %add3A_277 : i32 to index
        %swap3A_287 = tpu.vector_load %arg11[%swap3A_285, %swap3A_286] {strides = array<i32>} : memref<16x1024xf32, #tpu.memory_space<vmem>>, vector<1x16xf32>,
        %swap3A_288 = vector.shape_cast %swap3A_287 : vector<1x16xf32> to vector<16xf32>
        %swap3A_289 = vector.shape_cast %mul3A_284 : vector<16xf32> to vector<1x16xf32>
        tpu.vector_store %arg11[%swap3A_285, %swap3A_286], %swap3A_289 {strides = array<i32>} : memref<16x1024xf32, #tpu.memory_space<vmem>>, vector<1x16xf32>,
        %add3A_290 = arith.constant 48 : i32
        %add3A_291 = arith.addi %mul3A_249, %add3A_290 : i32
        %get3A_292 = arith.index_cast %div3A_245 : i32 to index
        %get3A_293 = arith.index_cast %add3A_291 : i32 to index
        %get3A_294 = tpu.vector_load %arg7[%get3A_292, %get3A_293] {strides = array<i32>} : memref<16x1024xf32, #tpu.memory_space<vmem>>, vector<1x16xf32>,
        %get3A_295 = vector.shape_cast %get3A_294 : vector<1x16xf32> to vector<16xf32>
        %mul3A_296 = arith.constant 3.200000e+01 : f32
        %mul3A_297 = vector.broadcast %mul3A_296 : f32 to vector<16xf32>
        %mul3A_298 = arith.mulf %get3A_295, %mul3A_297 : vector<16xf32>
        %swap3A_299 = arith.index_cast %div3A_245 : i32 to index
        %swap3A_300 = arith.index_cast %add3A_291 : i32 to index
        %swap3A_301 = tpu.vector_load %arg11[%swap3A_299, %swap3A_300] {strides = array<i32>} : memref<16x1024xf32, #tpu.memory_space<vmem>>, vector<1x16xf32>,
        %swap3A_302 = vector.shape_cast %swap3A_301 : vector<1x16xf32> to vector<16xf32>
        %swap3A_303 = vector.shape_cast %mul3A_298 : vector<16xf32> to vector<1x16xf32>
        tpu.vector_store %arg11[%swap3A_299, %swap3A_300], %swap3A_303 {strides = array<i32>} : memref<16x1024xf32, #tpu.memory_space<vmem>>, vector<1x16xf32>,
        %add3A_304 = arith.constant 64 : i32
        %add3A_305 = arith.addi %mul3A_249, %add3A_304 : i32
        %get3A_306 = arith.index_cast %div3A_245 : i32 to index
        %get3A_307 = arith.index_cast %add3A_305 : i32 to index
        %get3A_308 = tpu.vector_load %arg7[%get3A_306, %get3A_307] {strides = array<i32>} : memref<16x1024xf32, #tpu.memory_space<vmem>>, vector<1x16xf32>,
        %get3A_309 = vector.shape_cast %get3A_308 : vector<1x16xf32> to vector<16xf32>
        %mul3A_310 = arith.constant 3.200000e+01 : f32
        %mul3A_311 = vector.broadcast %mul3A_310 : f32 to vector<16xf32>
        %mul3A_312 = arith.mulf %get3A_309, %mul3A_311 : vector<16xf32>
        %swap3A_313 = arith.index_cast %div3A_245 : i32 to index
        %swap3A_314 = arith.index_cast %add3A_305 : i32 to index
        %swap3A_315 = tpu.vector_load %arg11[%swap3A_313, %swap3A_314] {strides = array<i32>} : memref<16x1024xf32, #tpu.memory_space<vmem>>, vector<1x16xf32>,
        %swap3A_316 = vector.shape_cast %swap3A_315 : vector<1x16xf32> to vector<16xf32>
        %swap3A_317 = vector.shape_cast %mul3A_312 : vector<16xf32> to vector<1x16xf32>
        tpu.vector_store %arg11[%swap3A_313, %swap3A_314], %swap3A_317 {strides = array<i32>} : memref<16x1024xf32, #tpu.memory_space<vmem>>, vector<1x16xf32>,
        %add3A_318 = arith.constant 80 : i32
        %add3A_319 = arith.addi %mul3A_249, %add3A_318 : i32
        %get3A_320 = arith.index_cast %div3A_245 : i32 to index
        %get3A_321 = arith.index_cast %add3A_319 : i32 to index
        %get3A_322 = tpu.vector_load %arg7[%get3A_320, %get3A_321] {strides = array<i32>} : memref<16x1024xf32, #tpu.memory_space<vmem>>, vector<1x16xf32>,
        %get3A_323 = vector.shape_cast %get3A_322 : vector<1x16xf32> to vector<16xf32>
        %mul3A_324 = arith.constant 3.200000e+01 : f32
        %mul3A_325 = vector.broadcast %mul3A_324 : f32 to vector<16xf32>
        %mul3A_326 = arith.mulf %get3A_323, %mul3A_325 : vector<16xf32>
        %swap3A_327 = arith.index_cast %div3A_245 : i32 to index
        %swap3A_328 = arith.index_cast %add3A_319 : i32 to index
        %swap3A_329 = tpu.vector_load %arg11[%swap3A_327, %swap3A_328] {strides = array<i32>} : memref<16x1024xf32, #tpu.memory_space<vmem>>, vector<1x16xf32>,
        %swap3A_330 = vector.shape_cast %swap3A_329 : vector<1x16xf32> to vector<16xf32>
        %swap3A_331 = vector.shape_cast %mul3A_326 : vector<16xf32> to vector<1x16xf32>
        tpu.vector_store %arg11[%swap3A_327, %swap3A_328], %swap3A_331 {strides = array<i32>} : memref<16x1024xf32, #tpu.memory_space<vmem>>, vector<1x16xf32>,
        %add3A_332 = arith.constant 96 : i32
        %add3A_333 = arith.addi %mul3A_249, %add3A_332 : i32
        %get3A_334 = arith.index_cast %div3A_245 : i32 to index
        %get3A_335 = arith.index_cast %add3A_333 : i32 to index
        %get3A_336 = tpu.vector_load %arg7[%get3A_334, %get3A_335] {strides = array<i32>} : memref<16x1024xf32, #tpu.memory_space<vmem>>, vector<1x16xf32>,
        %get3A_337 = vector.shape_cast %get3A_336 : vector<1x16xf32> to vector<16xf32>
        %mul3A_338 = arith.constant 3.200000e+01 : f32
        %mul3A_339 = vector.broadcast %mul3A_338 : f32 to vector<16xf32>
        %mul3A_340 = arith.mulf %get3A_337, %mul3A_339 : vector<16xf32>
        %swap3A_341 = arith.index_cast %div3A_245 : i32 to index
        %swap3A_342 = arith.index_cast %add3A_333 : i32 to index
        %swap3A_343 = tpu.vector_load %arg11[%swap3A_341, %swap3A_342] {strides = array<i32>} : memref<16x1024xf32, #tpu.memory_space<vmem>>, vector<1x16xf32>,
        %swap3A_344 = vector.shape_cast %swap3A_343 : vector<1x16xf32> to vector<16xf32>
        %swap3A_345 = vector.shape_cast %mul3A_340 : vector<16xf32> to vector<1x16xf32>
        tpu.vector_store %arg11[%swap3A_341, %swap3A_342], %swap3A_345 {strides = array<i32>} : memref<16x1024xf32, #tpu.memory_space<vmem>>, vector<1x16xf32>,
        %add3A_346 = arith.constant 112 : i32
        %add3A_347 = arith.addi %mul3A_249, %add3A_346 : i32
        %get3A_348 = arith.index_cast %div3A_245 : i32 to index
        %get3A_349 = arith.index_cast %add3A_347 : i32 to index
        %get3A_350 = tpu.vector_load %arg7[%get3A_348, %get3A_349] {strides = array<i32>} : memref<16x1024xf32, #tpu.memory_space<vmem>>, vector<1x16xf32>,
        %get3A_351 = vector.shape_cast %get3A_350 : vector<1x16xf32> to vector<16xf32>
        %mul3A_352 = arith.constant 3.200000e+01 : f32
        %mul3A_353 = vector.broadcast %mul3A_352 : f32 to vector<16xf32>
        %mul3A_354 = arith.mulf %get3A_351, %mul3A_353 : vector<16xf32>
        %swap3A_355 = arith.index_cast %div3A_245 : i32 to index
        %swap3A_356 = arith.index_cast %add3A_347 : i32 to index
        %swap3A_357 = tpu.vector_load %arg11[%swap3A_355, %swap3A_356] {strides = array<i32>} : memref<16x1024xf32, #tpu.memory_space<vmem>>, vector<1x16xf32>,
        %swap3A_358 = vector.shape_cast %swap3A_357 : vector<1x16xf32> to vector<16xf32>
        %swap3A_359 = vector.shape_cast %mul3A_354 : vector<16xf32> to vector<1x16xf32>
        tpu.vector_store %arg11[%swap3A_355, %swap3A_356], %swap3A_359 {strides = array<i32>} : memref<16x1024xf32, #tpu.memory_space<vmem>>, vector<1x16xf32>,
        %scan3A_360 = arith.constant 0 : i32
        scf.yield %scan3A_360 : i32
      }
      %scan3A_141 = arith.constant 128 : i32
      %dma_start3A_142 = arith.constant 0 : i32
      %dma_start3A_143 = tpu.memref_slice %arg4[%select_n3A, %multiple_of3A_123, %dma_start3A_142] : memref<4x4096x1024xf32, #tpu.memory_space<hbm>> -> memref<1x16x1024xf32, #tpu.memory_space<hbm>>
      %dma_start3A_144 = tpu.memref_squeeze %dma_start3A_143 : memref<1x16x1024xf32, #tpu.memory_space<hbm>> -> memref<16x1024xf32, #tpu.memory_space<hbm>>
      %dma_start3A_145 = arith.constant 0 : i32
      %dma_start3A_146 = tpu.memref_slice %arg4[%select_n3A, %multiple_of3A_123, %dma_start3A_145] : memref<4x4096x1024xf32, #tpu.memory_space<hbm>> -> memref<1x16x1024xf32, #tpu.memory_space<hbm>>
      %dma_start3A_147 = tpu.memref_squeeze %dma_start3A_146 : memref<1x16x1024xf32, #tpu.memory_space<hbm>> -> memref<16x1024xf32, #tpu.memory_space<hbm>>
      tpu.enqueue_dma source(%arg11 : memref<16x1024xf32, #tpu.memory_space<vmem>>) target(%dma_start3A_147 : memref<16x1024xf32, #tpu.memory_space<hbm>>) target_semaphore(%arg17 : memref<!tpu.dma_semaphore, #tpu.memory_space<semaphore_mem>>)
      %add3A_148 = arith.constant 4 : i32
      %add3A_149 = arith.addi %add3A_119, %add3A_148 : i32
      %lt3A_150 = arith.constant 32 : i32
      %lt3A_151 = arith.cmpi slt, %add3A_149, %lt3A_150 : i32
      %convert_element_type3A_152 = arith.extui %lt3A_151 : i1 to i32
      %cond3A_153 = arith.constant 0 : i32
      %cond3A_154 = arith.cmpi ne, %convert_element_type3A_152, %cond3A_153 : i32
      scf.if %cond3A_154 {
        %add3A_242 = arith.constant 4 : i32
        %add3A_243 = arith.addi %add3A_119, %add3A_242 : i32
        %mul3A_244 = arith.constant 16 : i32
        %mul3A_245 = arith.muli %add3A_243, %mul3A_244 : i32
        %multiple_of3A_246 = tpu.assume_multiple %mul3A_245, 8 : i32
        %multiple_of3A_247 = tpu.assume_multiple %multiple_of3A_246, 8 : i32
        %dma_start3A_248 = tpu.memref_slice %arg5[%multiple_of3A_247] : memref<512xi32, #tpu.memory_space<vmem>> -> memref<16xi32, #tpu.memory_space<vmem>>
        %dma_start3A_249 = arith.constant 0 : i32
        %dma_start3A_250 = arith.constant 0 : i32
        %dma_start3A_251 = tpu.memref_slice %arg3[%dma_start3A_249, %dma_start3A_250] : memref<100000x1024xf32, #tpu.memory_space<hbm>> -> memref<100000x1024xf32, #tpu.memory_space<hbm>>
        tpu.enqueue_indirect_dma source(%dma_start3A_251 : memref<100000x1024xf32, #tpu.memory_space<hbm>>) target(%arg7 : memref<16x1024xf32, #tpu.memory_space<vmem>>) offsets(%dma_start3A_248 : memref<16xi32, #tpu.memory_space<vmem>>) semaphore(%arg13 : memref<!tpu.dma_semaphore, #tpu.memory_space<semaphore_mem>>)
      } else {
      }
      %mul3A_155 = arith.constant 4 : i32
      %mul3A_156 = arith.muli %mul3A_155, %scan3A_78 : i32
      %add3A_157 = arith.constant 2 : i32
      %add3A_158 = arith.addi %mul3A_156, %add3A_157 : i32
      %mul3A_159 = arith.constant 16 : i32
      %mul3A_160 = arith.muli %add3A_158, %mul3A_159 : i32
      %add3A_161 = arith.addi %mul3A_32, %mul3A_160 : i32
      %multiple_of3A_162 = tpu.assume_multiple %add3A_161, 8 : i32
      %dma_wait3A_163 = arith.constant 0 : i32
      %dma_wait3A_164 = arith.constant 0 : i32
      %dma_wait3A_165 = tpu.memref_slice %arg3[%dma_wait3A_163, %dma_wait3A_164] : memref<100000x1024xf32, #tpu.memory_space<hbm>> -> memref<16x1024xf32, #tpu.memory_space<hbm>>
      %dma_wait3A_166 = arith.constant 0 : i32
      %dma_wait3A_167 = arith.constant 0 : i32
      %dma_wait3A_168 = tpu.memref_slice %arg3[%dma_wait3A_166, %dma_wait3A_167] : memref<100000x1024xf32, #tpu.memory_space<hbm>> -> memref<16x1024xf32, #tpu.memory_space<hbm>>
      tpu.wait_dma2 semaphore(%arg14 : memref<!tpu.dma_semaphore, #tpu.memory_space<semaphore_mem>>) src(%dma_wait3A_168 : memref<16x1024xf32, #tpu.memory_space<hbm>>) dst(%arg8 : memref<16x1024xf32, #tpu.memory_space<vmem>>)
      %dma_wait3A_169 = arith.constant 0 : i32
      %dma_wait3A_170 = arith.constant 0 : i32
      %dma_wait3A_171 = arith.constant 0 : i32
      %dma_wait3A_172 = tpu.memref_slice %arg4[%dma_wait3A_169, %dma_wait3A_170, %dma_wait3A_171] : memref<4x4096x1024xf32, #tpu.memory_space<hbm>> -> memref<1x16x1024xf32, #tpu.memory_space<hbm>>
      %dma_wait3A_173 = tpu.memref_squeeze %dma_wait3A_172 : memref<1x16x1024xf32, #tpu.memory_space<hbm>> -> memref<16x1024xf32, #tpu.memory_space<hbm>>
      %dma_wait3A_174 = arith.constant 0 : i32
      %dma_wait3A_175 = arith.constant 0 : i32
      %dma_wait3A_176 = tpu.memref_slice %arg4[%dma_wait3A_169, %dma_wait3A_174, %dma_wait3A_175] : memref<4x4096x1024xf32, #tpu.memory_space<hbm>> -> memref<1x16x1024xf32, #tpu.memory_space<hbm>>
      %dma_wait3A_177 = tpu.memref_squeeze %dma_wait3A_176 : memref<1x16x1024xf32, #tpu.memory_space<hbm>> -> memref<16x1024xf32, #tpu.memory_space<hbm>>
      tpu.wait_dma2 semaphore(%arg16 : memref<!tpu.dma_semaphore, #tpu.memory_space<semaphore_mem>>) src(%arg10 : memref<16x1024xf32, #tpu.memory_space<vmem>>) dst(%dma_wait3A_177 : memref<16x1024xf32, #tpu.memory_space<hbm>>)
      %scan3A_178 = arith.constant 0 : i32
      %scan3A_179 = arith.constant 0 : i32
      %scan3A_180 = arith.constant 128 : i32
      %scan3A_181 = arith.addi %scan3A_179, %scan3A_180 : i32
      %scan3A_182 = arith.constant 1 : i32
      %scan3A_183 = scf.for %scan3A_242 = %scan3A_179 to %scan3A_181 step %scan3A_182 iter_args(%scan3A_243 = %scan3A_178) -> (i32)  : i32 {
        %div3A_244 = arith.constant 8 : i32
        %div3A_245 = arith.divsi %scan3A_242, %div3A_244 : i32
        %rem3A_246 = arith.constant 8 : i32
        %rem3A_247 = arith.remsi %scan3A_242, %rem3A_246 : i32
        %mul3A_248 = arith.constant 128 : i32
        %mul3A_249 = arith.muli %rem3A_247, %mul3A_248 : i32
        %add3A_250 = arith.constant 0 : i32
        %add3A_251 = arith.addi %mul3A_249, %add3A_250 : i32
        %get3A = arith.index_cast %div3A_245 : i32 to index
        %get3A_252 = arith.index_cast %add3A_251 : i32 to index
        %get3A_253 = tpu.vector_load %arg8[%get3A, %get3A_252] {strides = array<i32>} : memref<16x1024xf32, #tpu.memory_space<vmem>>, vector<1x16xf32>,
        %get3A_254 = vector.shape_cast %get3A_253 : vector<1x16xf32> to vector<16xf32>
        %mul3A_255 = arith.constant 3.200000e+01 : f32
        %mul3A_256 = vector.broadcast %mul3A_255 : f32 to vector<16xf32>
        %mul3A_257 = arith.mulf %get3A_254, %mul3A_256 : vector<16xf32>
        %swap3A = arith.index_cast %div3A_245 : i32 to index
        %swap3A_258 = arith.index_cast %add3A_251 : i32 to index
        %swap3A_259 = tpu.vector_load %arg10[%swap3A, %swap3A_258] {strides = array<i32>} : memref<16x1024xf32, #tpu.memory_space<vmem>>, vector<1x16xf32>,
        %swap3A_260 = vector.shape_cast %swap3A_259 : vector<1x16xf32> to vector<16xf32>
        %swap3A_261 = vector.shape_cast %mul3A_257 : vector<16xf32> to vector<1x16xf32>
        tpu.vector_store %arg10[%swap3A, %swap3A_258], %swap3A_261 {strides = array<i32>} : memref<16x1024xf32, #tpu.memory_space<vmem>>, vector<1x16xf32>,
        %add3A_262 = arith.constant 16 : i32
        %add3A_263 = arith.addi %mul3A_249, %add3A_262 : i32
        %get3A_264 = arith.index_cast %div3A_245 : i32 to index
        %get3A_265 = arith.index_cast %add3A_263 : i32 to index
        %get3A_266 = tpu.vector_load %arg8[%get3A_264, %get3A_265] {strides = array<i32>} : memref<16x1024xf32, #tpu.memory_space<vmem>>, vector<1x16xf32>,
        %get3A_267 = vector.shape_cast %get3A_266 : vector<1x16xf32> to vector<16xf32>
        %mul3A_268 = arith.constant 3.200000e+01 : f32
        %mul3A_269 = vector.broadcast %mul3A_268 : f32 to vector<16xf32>
        %mul3A_270 = arith.mulf %get3A_267, %mul3A_269 : vector<16xf32>
        %swap3A_271 = arith.index_cast %div3A_245 : i32 to index
        %swap3A_272 = arith.index_cast %add3A_263 : i32 to index
        %swap3A_273 = tpu.vector_load %arg10[%swap3A_271, %swap3A_272] {strides = array<i32>} : memref<16x1024xf32, #tpu.memory_space<vmem>>, vector<1x16xf32>,
        %swap3A_274 = vector.shape_cast %swap3A_273 : vector<1x16xf32> to vector<16xf32>
        %swap3A_275 = vector.shape_cast %mul3A_270 : vector<16xf32> to vector<1x16xf32>
        tpu.vector_store %arg10[%swap3A_271, %swap3A_272], %swap3A_275 {strides = array<i32>} : memref<16x1024xf32, #tpu.memory_space<vmem>>, vector<1x16xf32>,
        %add3A_276 = arith.constant 32 : i32
        %add3A_277 = arith.addi %mul3A_249, %add3A_276 : i32
        %get3A_278 = arith.index_cast %div3A_245 : i32 to index
        %get3A_279 = arith.index_cast %add3A_277 : i32 to index
        %get3A_280 = tpu.vector_load %arg8[%get3A_278, %get3A_279] {strides = array<i32>} : memref<16x1024xf32, #tpu.memory_space<vmem>>, vector<1x16xf32>,
        %get3A_281 = vector.shape_cast %get3A_280 : vector<1x16xf32> to vector<16xf32>
        %mul3A_282 = arith.constant 3.200000e+01 : f32
        %mul3A_283 = vector.broadcast %mul3A_282 : f32 to vector<16xf32>
        %mul3A_284 = arith.mulf %get3A_281, %mul3A_283 : vector<16xf32>
        %swap3A_285 = arith.index_cast %div3A_245 : i32 to index
        %swap3A_286 = arith.index_cast %add3A_277 : i32 to index
        %swap3A_287 = tpu.vector_load %arg10[%swap3A_285, %swap3A_286] {strides = array<i32>} : memref<16x1024xf32, #tpu.memory_space<vmem>>, vector<1x16xf32>,
        %swap3A_288 = vector.shape_cast %swap3A_287 : vector<1x16xf32> to vector<16xf32>
        %swap3A_289 = vector.shape_cast %mul3A_284 : vector<16xf32> to vector<1x16xf32>
        tpu.vector_store %arg10[%swap3A_285, %swap3A_286], %swap3A_289 {strides = array<i32>} : memref<16x1024xf32, #tpu.memory_space<vmem>>, vector<1x16xf32>,
        %add3A_290 = arith.constant 48 : i32
        %add3A_291 = arith.addi %mul3A_249, %add3A_290 : i32
        %get3A_292 = arith.index_cast %div3A_245 : i32 to index
        %get3A_293 = arith.index_cast %add3A_291 : i32 to index
        %get3A_294 = tpu.vector_load %arg8[%get3A_292, %get3A_293] {strides = array<i32>} : memref<16x1024xf32, #tpu.memory_space<vmem>>, vector<1x16xf32>,
        %get3A_295 = vector.shape_cast %get3A_294 : vector<1x16xf32> to vector<16xf32>
        %mul3A_296 = arith.constant 3.200000e+01 : f32
        %mul3A_297 = vector.broadcast %mul3A_296 : f32 to vector<16xf32>
        %mul3A_298 = arith.mulf %get3A_295, %mul3A_297 : vector<16xf32>
        %swap3A_299 = arith.index_cast %div3A_245 : i32 to index
        %swap3A_300 = arith.index_cast %add3A_291 : i32 to index
        %swap3A_301 = tpu.vector_load %arg10[%swap3A_299, %swap3A_300] {strides = array<i32>} : memref<16x1024xf32, #tpu.memory_space<vmem>>, vector<1x16xf32>,
        %swap3A_302 = vector.shape_cast %swap3A_301 : vector<1x16xf32> to vector<16xf32>
        %swap3A_303 = vector.shape_cast %mul3A_298 : vector<16xf32> to vector<1x16xf32>
        tpu.vector_store %arg10[%swap3A_299, %swap3A_300], %swap3A_303 {strides = array<i32>} : memref<16x1024xf32, #tpu.memory_space<vmem>>, vector<1x16xf32>,
        %add3A_304 = arith.constant 64 : i32
        %add3A_305 = arith.addi %mul3A_249, %add3A_304 : i32
        %get3A_306 = arith.index_cast %div3A_245 : i32 to index
        %get3A_307 = arith.index_cast %add3A_305 : i32 to index
        %get3A_308 = tpu.vector_load %arg8[%get3A_306, %get3A_307] {strides = array<i32>} : memref<16x1024xf32, #tpu.memory_space<vmem>>, vector<1x16xf32>,
        %get3A_309 = vector.shape_cast %get3A_308 : vector<1x16xf32> to vector<16xf32>
        %mul3A_310 = arith.constant 3.200000e+01 : f32
        %mul3A_311 = vector.broadcast %mul3A_310 : f32 to vector<16xf32>
        %mul3A_312 = arith.mulf %get3A_309, %mul3A_311 : vector<16xf32>
        %swap3A_313 = arith.index_cast %div3A_245 : i32 to index
        %swap3A_314 = arith.index_cast %add3A_305 : i32 to index
        %swap3A_315 = tpu.vector_load %arg10[%swap3A_313, %swap3A_314] {strides = array<i32>} : memref<16x1024xf32, #tpu.memory_space<vmem>>, vector<1x16xf32>,
        %swap3A_316 = vector.shape_cast %swap3A_315 : vector<1x16xf32> to vector<16xf32>
        %swap3A_317 = vector.shape_cast %mul3A_312 : vector<16xf32> to vector<1x16xf32>
        tpu.vector_store %arg10[%swap3A_313, %swap3A_314], %swap3A_317 {strides = array<i32>} : memref<16x1024xf32, #tpu.memory_space<vmem>>, vector<1x16xf32>,
        %add3A_318 = arith.constant 80 : i32
        %add3A_319 = arith.addi %mul3A_249, %add3A_318 : i32
        %get3A_320 = arith.index_cast %div3A_245 : i32 to index
        %get3A_321 = arith.index_cast %add3A_319 : i32 to index
        %get3A_322 = tpu.vector_load %arg8[%get3A_320, %get3A_321] {strides = array<i32>} : memref<16x1024xf32, #tpu.memory_space<vmem>>, vector<1x16xf32>,
        %get3A_323 = vector.shape_cast %get3A_322 : vector<1x16xf32> to vector<16xf32>
        %mul3A_324 = arith.constant 3.200000e+01 : f32
        %mul3A_325 = vector.broadcast %mul3A_324 : f32 to vector<16xf32>
        %mul3A_326 = arith.mulf %get3A_323, %mul3A_325 : vector<16xf32>
        %swap3A_327 = arith.index_cast %div3A_245 : i32 to index
        %swap3A_328 = arith.index_cast %add3A_319 : i32 to index
        %swap3A_329 = tpu.vector_load %arg10[%swap3A_327, %swap3A_328] {strides = array<i32>} : memref<16x1024xf32, #tpu.memory_space<vmem>>, vector<1x16xf32>,
        %swap3A_330 = vector.shape_cast %swap3A_329 : vector<1x16xf32> to vector<16xf32>
        %swap3A_331 = vector.shape_cast %mul3A_326 : vector<16xf32> to vector<1x16xf32>
        tpu.vector_store %arg10[%swap3A_327, %swap3A_328], %swap3A_331 {strides = array<i32>} : memref<16x1024xf32, #tpu.memory_space<vmem>>, vector<1x16xf32>,
        %add3A_332 = arith.constant 96 : i32
        %add3A_333 = arith.addi %mul3A_249, %add3A_332 : i32
        %get3A_334 = arith.index_cast %div3A_245 : i32 to index
        %get3A_335 = arith.index_cast %add3A_333 : i32 to index
        %get3A_336 = tpu.vector_load %arg8[%get3A_334, %get3A_335] {strides = array<i32>} : memref<16x1024xf32, #tpu.memory_space<vmem>>, vector<1x16xf32>,
        %get3A_337 = vector.shape_cast %get3A_336 : vector<1x16xf32> to vector<16xf32>
        %mul3A_338 = arith.constant 3.200000e+01 : f32
        %mul3A_339 = vector.broadcast %mul3A_338 : f32 to vector<16xf32>
        %mul3A_340 = arith.mulf %get3A_337, %mul3A_339 : vector<16xf32>
        %swap3A_341 = arith.index_cast %div3A_245 : i32 to index
        %swap3A_342 = arith.index_cast %add3A_333 : i32 to index
        %swap3A_343 = tpu.vector_load %arg10[%swap3A_341, %swap3A_342] {strides = array<i32>} : memref<16x1024xf32, #tpu.memory_space<vmem>>, vector<1x16xf32>,
        %swap3A_344 = vector.shape_cast %swap3A_343 : vector<1x16xf32> to vector<16xf32>
        %swap3A_345 = vector.shape_cast %mul3A_340 : vector<16xf32> to vector<1x16xf32>
        tpu.vector_store %arg10[%swap3A_341, %swap3A_342], %swap3A_345 {strides = array<i32>} : memref<16x1024xf32, #tpu.memory_space<vmem>>, vector<1x16xf32>,
        %add3A_346 = arith.constant 112 : i32
        %add3A_347 = arith.addi %mul3A_249, %add3A_346 : i32
        %get3A_348 = arith.index_cast %div3A_245 : i32 to index
        %get3A_349 = arith.index_cast %add3A_347 : i32 to index
        %get3A_350 = tpu.vector_load %arg8[%get3A_348, %get3A_349] {strides = array<i32>} : memref<16x1024xf32, #tpu.memory_space<vmem>>, vector<1x16xf32>,
        %get3A_351 = vector.shape_cast %get3A_350 : vector<1x16xf32> to vector<16xf32>
        %mul3A_352 = arith.constant 3.200000e+01 : f32
        %mul3A_353 = vector.broadcast %mul3A_352 : f32 to vector<16xf32>
        %mul3A_354 = arith.mulf %get3A_351, %mul3A_353 : vector<16xf32>
        %swap3A_355 = arith.index_cast %div3A_245 : i32 to index
        %swap3A_356 = arith.index_cast %add3A_347 : i32 to index
        %swap3A_357 = tpu.vector_load %arg10[%swap3A_355, %swap3A_356] {strides = array<i32>} : memref<16x1024xf32, #tpu.memory_space<vmem>>, vector<1x16xf32>,
        %swap3A_358 = vector.shape_cast %swap3A_357 : vector<1x16xf32> to vector<16xf32>
        %swap3A_359 = vector.shape_cast %mul3A_354 : vector<16xf32> to vector<1x16xf32>
        tpu.vector_store %arg10[%swap3A_355, %swap3A_356], %swap3A_359 {strides = array<i32>} : memref<16x1024xf32, #tpu.memory_space<vmem>>, vector<1x16xf32>,
        %scan3A_360 = arith.constant 0 : i32
        scf.yield %scan3A_360 : i32
      }
      %scan3A_184 = arith.constant 128 : i32
      %dma_start3A_185 = arith.constant 0 : i32
      %dma_start3A_186 = tpu.memref_slice %arg4[%select_n3A, %multiple_of3A_162, %dma_start3A_185] : memref<4x4096x1024xf32, #tpu.memory_space<hbm>> -> memref<1x16x1024xf32, #tpu.memory_space<hbm>>
      %dma_start3A_187 = tpu.memref_squeeze %dma_start3A_186 : memref<1x16x1024xf32, #tpu.memory_space<hbm>> -> memref<16x1024xf32, #tpu.memory_space<hbm>>
      %dma_start3A_188 = arith.constant 0 : i32
      %dma_start3A_189 = tpu.memref_slice %arg4[%select_n3A, %multiple_of3A_162, %dma_start3A_188] : memref<4x4096x1024xf32, #tpu.memory_space<hbm>> -> memref<1x16x1024xf32, #tpu.memory_space<hbm>>
      %dma_start3A_190 = tpu.memref_squeeze %dma_start3A_189 : memref<1x16x1024xf32, #tpu.memory_space<hbm>> -> memref<16x1024xf32, #tpu.memory_space<hbm>>
      tpu.enqueue_dma source(%arg10 : memref<16x1024xf32, #tpu.memory_space<vmem>>) target(%dma_start3A_190 : memref<16x1024xf32, #tpu.memory_space<hbm>>) target_semaphore(%arg16 : memref<!tpu.dma_semaphore, #tpu.memory_space<semaphore_mem>>)
      %add3A_191 = arith.constant 4 : i32
      %add3A_192 = arith.addi %add3A_158, %add3A_191 : i32
      %lt3A_193 = arith.constant 32 : i32
      %lt3A_194 = arith.cmpi slt, %add3A_192, %lt3A_193 : i32
      %convert_element_type3A_195 = arith.extui %lt3A_194 : i1 to i32
      %cond3A_196 = arith.constant 0 : i32
      %cond3A_197 = arith.cmpi ne, %convert_element_type3A_195, %cond3A_196 : i32
      scf.if %cond3A_197 {
        %add3A_242 = arith.constant 4 : i32
        %add3A_243 = arith.addi %add3A_158, %add3A_242 : i32
        %mul3A_244 = arith.constant 16 : i32
        %mul3A_245 = arith.muli %add3A_243, %mul3A_244 : i32
        %multiple_of3A_246 = tpu.assume_multiple %mul3A_245, 8 : i32
        %multiple_of3A_247 = tpu.assume_multiple %multiple_of3A_246, 8 : i32
        %dma_start3A_248 = tpu.memref_slice %arg5[%multiple_of3A_247] : memref<512xi32, #tpu.memory_space<vmem>> -> memref<16xi32, #tpu.memory_space<vmem>>
        %dma_start3A_249 = arith.constant 0 : i32
        %dma_start3A_250 = arith.constant 0 : i32
        %dma_start3A_251 = tpu.memref_slice %arg3[%dma_start3A_249, %dma_start3A_250] : memref<100000x1024xf32, #tpu.memory_space<hbm>> -> memref<100000x1024xf32, #tpu.memory_space<hbm>>
        tpu.enqueue_indirect_dma source(%dma_start3A_251 : memref<100000x1024xf32, #tpu.memory_space<hbm>>) target(%arg8 : memref<16x1024xf32, #tpu.memory_space<vmem>>) offsets(%dma_start3A_248 : memref<16xi32, #tpu.memory_space<vmem>>) semaphore(%arg14 : memref<!tpu.dma_semaphore, #tpu.memory_space<semaphore_mem>>)
      } else {
      }
      %mul3A_198 = arith.constant 4 : i32
      %mul3A_199 = arith.muli %mul3A_198, %scan3A_78 : i32
      %add3A_200 = arith.constant 3 : i32
      %add3A_201 = arith.addi %mul3A_199, %add3A_200 : i32
      %mul3A_202 = arith.constant 16 : i32
      %mul3A_203 = arith.muli %add3A_201, %mul3A_202 : i32
      %add3A_204 = arith.addi %mul3A_32, %mul3A_203 : i32
      %multiple_of3A_205 = tpu.assume_multiple %add3A_204, 8 : i32
      %dma_wait3A_206 = arith.constant 0 : i32
      %dma_wait3A_207 = arith.constant 0 : i32
      %dma_wait3A_208 = tpu.memref_slice %arg3[%dma_wait3A_206, %dma_wait3A_207] : memref<100000x1024xf32, #tpu.memory_space<hbm>> -> memref<16x1024xf32, #tpu.memory_space<hbm>>
      %dma_wait3A_209 = arith.constant 0 : i32
      %dma_wait3A_210 = arith.constant 0 : i32
      %dma_wait3A_211 = tpu.memref_slice %arg3[%dma_wait3A_209, %dma_wait3A_210] : memref<100000x1024xf32, #tpu.memory_space<hbm>> -> memref<16x1024xf32, #tpu.memory_space<hbm>>
      tpu.wait_dma2 semaphore(%arg15 : memref<!tpu.dma_semaphore, #tpu.memory_space<semaphore_mem>>) src(%dma_wait3A_211 : memref<16x1024xf32, #tpu.memory_space<hbm>>) dst(%arg9 : memref<16x1024xf32, #tpu.memory_space<vmem>>)
      %dma_wait3A_212 = arith.constant 0 : i32
      %dma_wait3A_213 = arith.constant 0 : i32
      %dma_wait3A_214 = arith.constant 0 : i32
      %dma_wait3A_215 = tpu.memref_slice %arg4[%dma_wait3A_212, %dma_wait3A_213, %dma_wait3A_214] : memref<4x4096x1024xf32, #tpu.memory_space<hbm>> -> memref<1x16x1024xf32, #tpu.memory_space<hbm>>
      %dma_wait3A_216 = tpu.memref_squeeze %dma_wait3A_215 : memref<1x16x1024xf32, #tpu.memory_space<hbm>> -> memref<16x1024xf32, #tpu.memory_space<hbm>>
      %dma_wait3A_217 = arith.constant 0 : i32
      %dma_wait3A_218 = arith.constant 0 : i32
      %dma_wait3A_219 = tpu.memref_slice %arg4[%dma_wait3A_212, %dma_wait3A_217, %dma_wait3A_218] : memref<4x4096x1024xf32, #tpu.memory_space<hbm>> -> memref<1x16x1024xf32, #tpu.memory_space<hbm>>
      %dma_wait3A_220 = tpu.memref_squeeze %dma_wait3A_219 : memref<1x16x1024xf32, #tpu.memory_space<hbm>> -> memref<16x1024xf32, #tpu.memory_space<hbm>>
      tpu.wait_dma2 semaphore(%arg17 : memref<!tpu.dma_semaphore, #tpu.memory_space<semaphore_mem>>) src(%arg11 : memref<16x1024xf32, #tpu.memory_space<vmem>>) dst(%dma_wait3A_220 : memref<16x1024xf32, #tpu.memory_space<hbm>>)
      %scan3A_221 = arith.constant 0 : i32
      %scan3A_222 = arith.constant 0 : i32
      %scan3A_223 = arith.constant 128 : i32
      %scan3A_224 = arith.addi %scan3A_222, %scan3A_223 : i32
      %scan3A_225 = arith.constant 1 : i32
      %scan3A_226 = scf.for %scan3A_242 = %scan3A_222 to %scan3A_224 step %scan3A_225 iter_args(%scan3A_243 = %scan3A_221) -> (i32)  : i32 {
        %div3A_244 = arith.constant 8 : i32
        %div3A_245 = arith.divsi %scan3A_242, %div3A_244 : i32
        %rem3A_246 = arith.constant 8 : i32
        %rem3A_247 = arith.remsi %scan3A_242, %rem3A_246 : i32
        %mul3A_248 = arith.constant 128 : i32
        %mul3A_249 = arith.muli %rem3A_247, %mul3A_248 : i32
        %add3A_250 = arith.constant 0 : i32
        %add3A_251 = arith.addi %mul3A_249, %add3A_250 : i32
        %get3A = arith.index_cast %div3A_245 : i32 to index
        %get3A_252 = arith.index_cast %add3A_251 : i32 to index
        %get3A_253 = tpu.vector_load %arg9[%get3A, %get3A_252] {strides = array<i32>} : memref<16x1024xf32, #tpu.memory_space<vmem>>, vector<1x16xf32>,
        %get3A_254 = vector.shape_cast %get3A_253 : vector<1x16xf32> to vector<16xf32>
        %mul3A_255 = arith.constant 3.200000e+01 : f32
        %mul3A_256 = vector.broadcast %mul3A_255 : f32 to vector<16xf32>
        %mul3A_257 = arith.mulf %get3A_254, %mul3A_256 : vector<16xf32>
        %swap3A = arith.index_cast %div3A_245 : i32 to index
        %swap3A_258 = arith.index_cast %add3A_251 : i32 to index
        %swap3A_259 = tpu.vector_load %arg11[%swap3A, %swap3A_258] {strides = array<i32>} : memref<16x1024xf32, #tpu.memory_space<vmem>>, vector<1x16xf32>,
        %swap3A_260 = vector.shape_cast %swap3A_259 : vector<1x16xf32> to vector<16xf32>
        %swap3A_261 = vector.shape_cast %mul3A_257 : vector<16xf32> to vector<1x16xf32>
        tpu.vector_store %arg11[%swap3A, %swap3A_258], %swap3A_261 {strides = array<i32>} : memref<16x1024xf32, #tpu.memory_space<vmem>>, vector<1x16xf32>,
        %add3A_262 = arith.constant 16 : i32
        %add3A_263 = arith.addi %mul3A_249, %add3A_262 : i32
        %get3A_264 = arith.index_cast %div3A_245 : i32 to index
        %get3A_265 = arith.index_cast %add3A_263 : i32 to index
        %get3A_266 = tpu.vector_load %arg9[%get3A_264, %get3A_265] {strides = array<i32>} : memref<16x1024xf32, #tpu.memory_space<vmem>>, vector<1x16xf32>,
        %get3A_267 = vector.shape_cast %get3A_266 : vector<1x16xf32> to vector<16xf32>
        %mul3A_268 = arith.constant 3.200000e+01 : f32
        %mul3A_269 = vector.broadcast %mul3A_268 : f32 to vector<16xf32>
        %mul3A_270 = arith.mulf %get3A_267, %mul3A_269 : vector<16xf32>
        %swap3A_271 = arith.index_cast %div3A_245 : i32 to index
        %swap3A_272 = arith.index_cast %add3A_263 : i32 to index
        %swap3A_273 = tpu.vector_load %arg11[%swap3A_271, %swap3A_272] {strides = array<i32>} : memref<16x1024xf32, #tpu.memory_space<vmem>>, vector<1x16xf32>,
        %swap3A_274 = vector.shape_cast %swap3A_273 : vector<1x16xf32> to vector<16xf32>
        %swap3A_275 = vector.shape_cast %mul3A_270 : vector<16xf32> to vector<1x16xf32>
        tpu.vector_store %arg11[%swap3A_271, %swap3A_272], %swap3A_275 {strides = array<i32>} : memref<16x1024xf32, #tpu.memory_space<vmem>>, vector<1x16xf32>,
        %add3A_276 = arith.constant 32 : i32
        %add3A_277 = arith.addi %mul3A_249, %add3A_276 : i32
        %get3A_278 = arith.index_cast %div3A_245 : i32 to index
        %get3A_279 = arith.index_cast %add3A_277 : i32 to index
        %get3A_280 = tpu.vector_load %arg9[%get3A_278, %get3A_279] {strides = array<i32>} : memref<16x1024xf32, #tpu.memory_space<vmem>>, vector<1x16xf32>,
        %get3A_281 = vector.shape_cast %get3A_280 : vector<1x16xf32> to vector<16xf32>
        %mul3A_282 = arith.constant 3.200000e+01 : f32
        %mul3A_283 = vector.broadcast %mul3A_282 : f32 to vector<16xf32>
        %mul3A_284 = arith.mulf %get3A_281, %mul3A_283 : vector<16xf32>
        %swap3A_285 = arith.index_cast %div3A_245 : i32 to index
        %swap3A_286 = arith.index_cast %add3A_277 : i32 to index
        %swap3A_287 = tpu.vector_load %arg11[%swap3A_285, %swap3A_286] {strides = array<i32>} : memref<16x1024xf32, #tpu.memory_space<vmem>>, vector<1x16xf32>,
        %swap3A_288 = vector.shape_cast %swap3A_287 : vector<1x16xf32> to vector<16xf32>
        %swap3A_289 = vector.shape_cast %mul3A_284 : vector<16xf32> to vector<1x16xf32>
        tpu.vector_store %arg11[%swap3A_285, %swap3A_286], %swap3A_289 {strides = array<i32>} : memref<16x1024xf32, #tpu.memory_space<vmem>>, vector<1x16xf32>,
        %add3A_290 = arith.constant 48 : i32
        %add3A_291 = arith.addi %mul3A_249, %add3A_290 : i32
        %get3A_292 = arith.index_cast %div3A_245 : i32 to index
        %get3A_293 = arith.index_cast %add3A_291 : i32 to index
        %get3A_294 = tpu.vector_load %arg9[%get3A_292, %get3A_293] {strides = array<i32>} : memref<16x1024xf32, #tpu.memory_space<vmem>>, vector<1x16xf32>,
        %get3A_295 = vector.shape_cast %get3A_294 : vector<1x16xf32> to vector<16xf32>
        %mul3A_296 = arith.constant 3.200000e+01 : f32
        %mul3A_297 = vector.broadcast %mul3A_296 : f32 to vector<16xf32>
        %mul3A_298 = arith.mulf %get3A_295, %mul3A_297 : vector<16xf32>
        %swap3A_299 = arith.index_cast %div3A_245 : i32 to index
        %swap3A_300 = arith.index_cast %add3A_291 : i32 to index
        %swap3A_301 = tpu.vector_load %arg11[%swap3A_299, %swap3A_300] {strides = array<i32>} : memref<16x1024xf32, #tpu.memory_space<vmem>>, vector<1x16xf32>,
        %swap3A_302 = vector.shape_cast %swap3A_301 : vector<1x16xf32> to vector<16xf32>
        %swap3A_303 = vector.shape_cast %mul3A_298 : vector<16xf32> to vector<1x16xf32>
        tpu.vector_store %arg11[%swap3A_299, %swap3A_300], %swap3A_303 {strides = array<i32>} : memref<16x1024xf32, #tpu.memory_space<vmem>>, vector<1x16xf32>,
        %add3A_304 = arith.constant 64 : i32
        %add3A_305 = arith.addi %mul3A_249, %add3A_304 : i32
        %get3A_306 = arith.index_cast %div3A_245 : i32 to index
        %get3A_307 = arith.index_cast %add3A_305 : i32 to index
        %get3A_308 = tpu.vector_load %arg9[%get3A_306, %get3A_307] {strides = array<i32>} : memref<16x1024xf32, #tpu.memory_space<vmem>>, vector<1x16xf32>,
        %get3A_309 = vector.shape_cast %get3A_308 : vector<1x16xf32> to vector<16xf32>
        %mul3A_310 = arith.constant 3.200000e+01 : f32
        %mul3A_311 = vector.broadcast %mul3A_310 : f32 to vector<16xf32>
        %mul3A_312 = arith.mulf %get3A_309, %mul3A_311 : vector<16xf32>
        %swap3A_313 = arith.index_cast %div3A_245 : i32 to index
        %swap3A_314 = arith.index_cast %add3A_305 : i32 to index
        %swap3A_315 = tpu.vector_load %arg11[%swap3A_313, %swap3A_314] {strides = array<i32>} : memref<16x1024xf32, #tpu.memory_space<vmem>>, vector<1x16xf32>,
        %swap3A_316 = vector.shape_cast %swap3A_315 : vector<1x16xf32> to vector<16xf32>
        %swap3A_317 = vector.shape_cast %mul3A_312 : vector<16xf32> to vector<1x16xf32>
        tpu.vector_store %arg11[%swap3A_313, %swap3A_314], %swap3A_317 {strides = array<i32>} : memref<16x1024xf32, #tpu.memory_space<vmem>>, vector<1x16xf32>,
        %add3A_318 = arith.constant 80 : i32
        %add3A_319 = arith.addi %mul3A_249, %add3A_318 : i32
        %get3A_320 = arith.index_cast %div3A_245 : i32 to index
        %get3A_321 = arith.index_cast %add3A_319 : i32 to index
        %get3A_322 = tpu.vector_load %arg9[%get3A_320, %get3A_321] {strides = array<i32>} : memref<16x1024xf32, #tpu.memory_space<vmem>>, vector<1x16xf32>,
        %get3A_323 = vector.shape_cast %get3A_322 : vector<1x16xf32> to vector<16xf32>
        %mul3A_324 = arith.constant 3.200000e+01 : f32
        %mul3A_325 = vector.broadcast %mul3A_324 : f32 to vector<16xf32>
        %mul3A_326 = arith.mulf %get3A_323, %mul3A_325 : vector<16xf32>
        %swap3A_327 = arith.index_cast %div3A_245 : i32 to index
        %swap3A_328 = arith.index_cast %add3A_319 : i32 to index
        %swap3A_329 = tpu.vector_load %arg11[%swap3A_327, %swap3A_328] {strides = array<i32>} : memref<16x1024xf32, #tpu.memory_space<vmem>>, vector<1x16xf32>,
        %swap3A_330 = vector.shape_cast %swap3A_329 : vector<1x16xf32> to vector<16xf32>
        %swap3A_331 = vector.shape_cast %mul3A_326 : vector<16xf32> to vector<1x16xf32>
        tpu.vector_store %arg11[%swap3A_327, %swap3A_328], %swap3A_331 {strides = array<i32>} : memref<16x1024xf32, #tpu.memory_space<vmem>>, vector<1x16xf32>,
        %add3A_332 = arith.constant 96 : i32
        %add3A_333 = arith.addi %mul3A_249, %add3A_332 : i32
        %get3A_334 = arith.index_cast %div3A_245 : i32 to index
        %get3A_335 = arith.index_cast %add3A_333 : i32 to index
        %get3A_336 = tpu.vector_load %arg9[%get3A_334, %get3A_335] {strides = array<i32>} : memref<16x1024xf32, #tpu.memory_space<vmem>>, vector<1x16xf32>,
        %get3A_337 = vector.shape_cast %get3A_336 : vector<1x16xf32> to vector<16xf32>
        %mul3A_338 = arith.constant 3.200000e+01 : f32
        %mul3A_339 = vector.broadcast %mul3A_338 : f32 to vector<16xf32>
        %mul3A_340 = arith.mulf %get3A_337, %mul3A_339 : vector<16xf32>
        %swap3A_341 = arith.index_cast %div3A_245 : i32 to index
        %swap3A_342 = arith.index_cast %add3A_333 : i32 to index
        %swap3A_343 = tpu.vector_load %arg11[%swap3A_341, %swap3A_342] {strides = array<i32>} : memref<16x1024xf32, #tpu.memory_space<vmem>>, vector<1x16xf32>,
        %swap3A_344 = vector.shape_cast %swap3A_343 : vector<1x16xf32> to vector<16xf32>
        %swap3A_345 = vector.shape_cast %mul3A_340 : vector<16xf32> to vector<1x16xf32>
        tpu.vector_store %arg11[%swap3A_341, %swap3A_342], %swap3A_345 {strides = array<i32>} : memref<16x1024xf32, #tpu.memory_space<vmem>>, vector<1x16xf32>,
        %add3A_346 = arith.constant 112 : i32
        %add3A_347 = arith.addi %mul3A_249, %add3A_346 : i32
        %get3A_348 = arith.index_cast %div3A_245 : i32 to index
        %get3A_349 = arith.index_cast %add3A_347 : i32 to index
        %get3A_350 = tpu.vector_load %arg9[%get3A_348, %get3A_349] {strides = array<i32>} : memref<16x1024xf32, #tpu.memory_space<vmem>>, vector<1x16xf32>,
        %get3A_351 = vector.shape_cast %get3A_350 : vector<1x16xf32> to vector<16xf32>
        %mul3A_352 = arith.constant 3.200000e+01 : f32
        %mul3A_353 = vector.broadcast %mul3A_352 : f32 to vector<16xf32>
        %mul3A_354 = arith.mulf %get3A_351, %mul3A_353 : vector<16xf32>
        %swap3A_355 = arith.index_cast %div3A_245 : i32 to index
        %swap3A_356 = arith.index_cast %add3A_347 : i32 to index
        %swap3A_357 = tpu.vector_load %arg11[%swap3A_355, %swap3A_356] {strides = array<i32>} : memref<16x1024xf32, #tpu.memory_space<vmem>>, vector<1x16xf32>,
        %swap3A_358 = vector.shape_cast %swap3A_357 : vector<1x16xf32> to vector<16xf32>
        %swap3A_359 = vector.shape_cast %mul3A_354 : vector<16xf32> to vector<1x16xf32>
        tpu.vector_store %arg11[%swap3A_355, %swap3A_356], %swap3A_359 {strides = array<i32>} : memref<16x1024xf32, #tpu.memory_space<vmem>>, vector<1x16xf32>,
        %scan3A_360 = arith.constant 0 : i32
        scf.yield %scan3A_360 : i32
      }
      %scan3A_227 = arith.constant 128 : i32
      %dma_start3A_228 = arith.constant 0 : i32
      %dma_start3A_229 = tpu.memref_slice %arg4[%select_n3A, %multiple_of3A_205, %dma_start3A_228] : memref<4x4096x1024xf32, #tpu.memory_space<hbm>> -> memref<1x16x1024xf32, #tpu.memory_space<hbm>>
      %dma_start3A_230 = tpu.memref_squeeze %dma_start3A_229 : memref<1x16x1024xf32, #tpu.memory_space<hbm>> -> memref<16x1024xf32, #tpu.memory_space<hbm>>
      %dma_start3A_231 = arith.constant 0 : i32
      %dma_start3A_232 = tpu.memref_slice %arg4[%select_n3A, %multiple_of3A_205, %dma_start3A_231] : memref<4x4096x1024xf32, #tpu.memory_space<hbm>> -> memref<1x16x1024xf32, #tpu.memory_space<hbm>>
      %dma_start3A_233 = tpu.memref_squeeze %dma_start3A_232 : memref<1x16x1024xf32, #tpu.memory_space<hbm>> -> memref<16x1024xf32, #tpu.memory_space<hbm>>
      tpu.enqueue_dma source(%arg11 : memref<16x1024xf32, #tpu.memory_space<vmem>>) target(%dma_start3A_233 : memref<16x1024xf32, #tpu.memory_space<hbm>>) target_semaphore(%arg17 : memref<!tpu.dma_semaphore, #tpu.memory_space<semaphore_mem>>)
      %add3A_234 = arith.constant 4 : i32
      %add3A_235 = arith.addi %add3A_201, %add3A_234 : i32
      %lt3A_236 = arith.constant 32 : i32
      %lt3A_237 = arith.cmpi slt, %add3A_235, %lt3A_236 : i32
      %convert_element_type3A_238 = arith.extui %lt3A_237 : i1 to i32
      %cond3A_239 = arith.constant 0 : i32
      %cond3A_240 = arith.cmpi ne, %convert_element_type3A_238, %cond3A_239 : i32
      scf.if %cond3A_240 {
        %add3A_242 = arith.constant 4 : i32
        %add3A_243 = arith.addi %add3A_201, %add3A_242 : i32
        %mul3A_244 = arith.constant 16 : i32
        %mul3A_245 = arith.muli %add3A_243, %mul3A_244 : i32
        %multiple_of3A_246 = tpu.assume_multiple %mul3A_245, 8 : i32
        %multiple_of3A_247 = tpu.assume_multiple %multiple_of3A_246, 8 : i32
        %dma_start3A_248 = tpu.memref_slice %arg5[%multiple_of3A_247] : memref<512xi32, #tpu.memory_space<vmem>> -> memref<16xi32, #tpu.memory_space<vmem>>
        %dma_start3A_249 = arith.constant 0 : i32
        %dma_start3A_250 = arith.constant 0 : i32
        %dma_start3A_251 = tpu.memref_slice %arg3[%dma_start3A_249, %dma_start3A_250] : memref<100000x1024xf32, #tpu.memory_space<hbm>> -> memref<100000x1024xf32, #tpu.memory_space<hbm>>
        tpu.enqueue_indirect_dma source(%dma_start3A_251 : memref<100000x1024xf32, #tpu.memory_space<hbm>>) target(%arg9 : memref<16x1024xf32, #tpu.memory_space<vmem>>) offsets(%dma_start3A_248 : memref<16xi32, #tpu.memory_space<vmem>>) semaphore(%arg15 : memref<!tpu.dma_semaphore, #tpu.memory_space<semaphore_mem>>)
      } else {
      }
      %scan3A_241 = arith.constant 0 : i32
      scf.yield %scan3A_241 : i32
    }
    %scan3A_60 = arith.constant 8 : i32
    %dma_wait3A = arith.constant 0 : i32
    %dma_wait3A_61 = arith.constant 0 : i32
    %dma_wait3A_62 = arith.constant 0 : i32
    %dma_wait3A_63 = tpu.memref_slice %arg4[%dma_wait3A, %dma_wait3A_61, %dma_wait3A_62] : memref<4x4096x1024xf32, #tpu.memory_space<hbm>> -> memref<1x16x1024xf32, #tpu.memory_space<hbm>>
    %dma_wait3A_64 = tpu.memref_squeeze %dma_wait3A_63 : memref<1x16x1024xf32, #tpu.memory_space<hbm>> -> memref<16x1024xf32, #tpu.memory_space<hbm>>
    %dma_wait3A_65 = arith.constant 0 : i32
    %dma_wait3A_66 = arith.constant 0 : i32
    %dma_wait3A_67 = tpu.memref_slice %arg4[%dma_wait3A, %dma_wait3A_65, %dma_wait3A_66] : memref<4x4096x1024xf32, #tpu.memory_space<hbm>> -> memref<1x16x1024xf32, #tpu.memory_space<hbm>>
    %dma_wait3A_68 = tpu.memref_squeeze %dma_wait3A_67 : memref<1x16x1024xf32, #tpu.memory_space<hbm>> -> memref<16x1024xf32, #tpu.memory_space<hbm>>
    tpu.wait_dma2 semaphore(%arg16 : memref<!tpu.dma_semaphore, #tpu.memory_space<semaphore_mem>>) src(%arg10 : memref<16x1024xf32, #tpu.memory_space<vmem>>) dst(%dma_wait3A_68 : memref<16x1024xf32, #tpu.memory_space<hbm>>)
    %dma_wait3A_69 = arith.constant 0 : i32
    %dma_wait3A_70 = arith.constant 0 : i32
    %dma_wait3A_71 = arith.constant 0 : i32
    %dma_wait3A_72 = tpu.memref_slice %arg4[%dma_wait3A_69, %dma_wait3A_70, %dma_wait3A_71] : memref<4x4096x1024xf32, #tpu.memory_space<hbm>> -> memref<1x16x1024xf32, #tpu.memory_space<hbm>>
    %dma_wait3A_73 = tpu.memref_squeeze %dma_wait3A_72 : memref<1x16x1024xf32, #tpu.memory_space<hbm>> -> memref<16x1024xf32, #tpu.memory_space<hbm>>
    %dma_wait3A_74 = arith.constant 0 : i32
    %dma_wait3A_75 = arith.constant 0 : i32
    %dma_wait3A_76 = tpu.memref_slice %arg4[%dma_wait3A_69, %dma_wait3A_74, %dma_wait3A_75] : memref<4x4096x1024xf32, #tpu.memory_space<hbm>> -> memref<1x16x1024xf32, #tpu.memory_space<hbm>>
    %dma_wait3A_77 = tpu.memref_squeeze %dma_wait3A_76 : memref<1x16x1024xf32, #tpu.memory_space<hbm>> -> memref<16x1024xf32, #tpu.memory_space<hbm>>
    tpu.wait_dma2 semaphore(%arg17 : memref<!tpu.dma_semaphore, #tpu.memory_space<semaphore_mem>>) src(%arg11 : memref<16x1024xf32, #tpu.memory_space<vmem>>) dst(%dma_wait3A_77 : memref<16x1024xf32, #tpu.memory_space<hbm>>)
    return
  }
}

</mosaic_0001>

<sc_bundles>
// kernel: kernel.3.cloned.1.call-start
scs
__scs_entry_jumppad:
0x0: {  	(pc) =	sbr.rel $0x88, $3  }
0x1: {  	(tag) =	ssettag $0x0;
	lr =	simm.s32 $0x1  }
0x2: {  	[smem:$0x3F9F] =	sst lr;
	_ =	strace $0xD0000000  }
0x3: {  	_ = 	snop  }
0x4: {  	_ = 	snop  }
0x5: {  	_ = 	snop  }
0x6: {  	_ = 	snop  }
0x7: {  	_ = 	snop  }
__scs_overlays_trampoline_lowered:
0x8: {  	[smem:$0x3FAE] =	sst s0  }
0x9: {  	[smem:$0x3FAF] =	sst s1  }
0xa: {  	[smem:$0x3FB0] =	sst s2  }
0xb: {  	[smem:$0x3FB1] =	sst s3  }
0xc: {  	[smem:$0x3FB2] =	sst s4  }
0xd: {  	[smem:$0x3FB3] =	sst s5  }
0xe: {  	[smem:$0x3FB4] =	sst s6  }
0xf: {  	[smem:$0x3FB5] =	sst s7  }
0x10: {  	[smem:$0x3FB6] =	sst s8  }
0x11: {  	[smem:$0x3FB7] =	sst s9;
	s0 =	simm.s32 @!p0 $0x0  }
0x12: {  	s1 =	sld [smem:$0x3F9D];
	s0 =	simm.s32 @p0 $0x1  }
0x13: {  	[smem:$0x3FB8] =	sst s0;
	s0 =	simm.s32 @!p1 $0x0  }
0x14: {  	s2 =	sld [smem:$0x3F9C];
	s0 =	simm.s32 @p1 $0x1  }
0x15: {  	[smem:$0x3FB9] =	sst s0;
	s0 =	simm.s32 @!p2 $0x0  }
0x16: {  	s3 =	sld [smem:$0x3FDB];
	s0 =	simm.s32 @p2 $0x1  }
0x17: {  	s4 =	simm.s32 $0x1BF5;
	[smem:$0x3FBB] =	sst s0  }
0x18: {  	s0 =	sld [smem:$0x3F9E];
	_ =	swait.ge [sflag:s4], $0x0  }
0x19: {  	s7 =	sld [smem:$0x3F9F]  }
0x1a: {  	s8 =	sadd.s32 $0xFFFFE003, lr  }
0x1b: {  	s9 =	sadd.s32 $0xFFFFFEF7, lr;
	s5 =	simm.s32 $0xFFFFFFFF;
	p2 =	slt.u32 s8, $0xFFFFF086  }
0x1c: {  	p1 =	slt.u32 s9, $0xF7A;
	s5 =	simm.s32 @!p2 $0x0  }
0x1d: {  	s5 =	simm.s32 @p1 $0x1;
	p0 =	seq.s32 s7, s2  }
0x1e: {  	s7 =	smul.u32 @!p0 $0xF7A, s2;
	p2 =	seq.s32 @!p0 s5, $0x0  }
0x1f: {  	s9 =	smul.u32 $0xF7A, s1;
	s8 =	simm.s32 @!p0 $0x1BF5;
	p2 =	por !p2, p0  }
0x20: {  	[sflag:s8] =	ssyncset.s32 @!p0 $0xFFFFF086;
	s6 =	sadd.s32 @!p0 s3, s7;
	s7 =	simm.s32 @!p0 $0x108  }
0x21: {  	s3 =	sadd.s32 s3, s9;
	s6 =	sadd.s32 @!p0 $0x88, s6;
	s7 =	simm.s32 @p2 $0x1082  }
0x22: {  	[simem:s7], [sflag:s8] =	dma.local @!p0 [hbm:s6], $0xF7A  }
0x23: {  	s9 =	sor.u32 $0xD0000000, s2;
	s6 =	simm.s32 $0x108;
	_ =	swait.ge @!p0 [sflag:s8], $0x0  }
0x24: {  	s3 =	sadd.s32 $0x88, s3;
	s6 =	simm.s32 @!p1 $0x1082;
	[sflag:s4] =	ssyncset.s32 $0xFFFFF086  }
0x25: {  	[simem:s6], [sflag:s4] =	dma.local [hbm:s3], $0xF7A  }
0x26: {  	[smem:$0x3F9F] =	sst s1;
	(tag) =	ssettag s2;
	_ =	strace s9  }
0x27: {  	s1 =	sld [smem:$0x3FAF]  }
0x28: {  	s2 =	sld [smem:$0x3FB0]  }
0x29: {  	s4 =	sld [smem:$0x3FB2]  }
0x2a: {  	p0 =	seq.s32 s5, $0x0;
	s5 =	sld [smem:$0x3FB3]  }
0x2b: {  	s6 =	sld [smem:$0x3FB4]  }
0x2c: {  	s7 =	sld [smem:$0x3FB5]  }
0x2d: {  	s3 =	simm.s32 $0x108;
	s8 =	sld [smem:$0x3FB6]  }
0x2e: {  	s3 =	simm.s32 @!p0 $0x1082;
	s9 =	sld [smem:$0x3FB7]  }
0x2f: {  	lr =	sadd.s32 s0, s3;
	s0 =	sld [smem:$0x3FAE]  }
0x30: {  	s3 =	sld [smem:$0x3FB1]  }
0x31: {  	[smem:$0x3FBA] =	sst s10  }
0x32: {  	s10 =	sld [smem:$0x3FB8];
	_ =	sdelay $0x3  }
0x33: {  	p0 =	seq.s32 s10, $0x1;
	s10 =	sld [smem:$0x3FBA];
	_ =	sdelay $0x3  }
0x34: {  	[smem:$0x3FBA] =	sst s10  }
0x35: {  	s10 =	sld [smem:$0x3FB9];
	_ =	sdelay $0x3  }
0x36: {  	p1 =	seq.s32 s10, $0x1;
	s10 =	sld [smem:$0x3FBA];
	_ =	sdelay $0x3  }
0x37: {  	[smem:$0x3FBA] =	sst s10  }
0x38: {  	s10 =	sld [smem:$0x3FBB]  }
0x39: {  	_ = 	snop;
	(pc) =	sbr.ind lr, $3  }
0x3a: {  	_ = 	snop  }
0x3b: {  	_ = 	snop  }
0x3c: {  	p2 =	seq.s32 s10, $0x1;
	s10 =	sld [smem:$0x3FBA]  }
0x3d: {  	_ =	shalt  }
0x3e: {  	_ =	shalt  }
0x3f: {  	_ =	shalt  }
0x40: {  	_ =	shalt  }
0x41: {  	_ =	shalt  }
0x42: {  	_ =	shalt  }
0x43: {  	_ =	shalt  }
0x44: {  	_ =	shalt  }
0x45: {  	_ =	shalt  }
0x46: {  	_ =	shalt  }
0x47: {  	_ =	shalt  }
0x48: {  	_ =	shalt  }
0x49: {  	_ =	shalt  }
0x4a: {  	_ =	shalt  }
0x4b: {  	_ =	shalt  }
0x4c: {  	_ =	shalt  }
0x4d: {  	_ =	shalt  }
0x4e: {  	_ =	shalt  }
0x4f: {  	_ =	shalt  }
0x50: {  	_ =	shalt  }
0x51: {  	_ =	shalt  }
0x52: {  	_ =	shalt  }
0x53: {  	_ =	shalt  }
0x54: {  	_ =	shalt  }
0x55: {  	_ =	shalt  }
0x56: {  	_ =	shalt  }
0x57: {  	_ =	shalt  }
0x58: {  	_ =	shalt  }
0x59: {  	_ =	shalt  }
0x5a: {  	_ =	shalt  }
0x5b: {  	_ =	shalt  }
0x5c: {  	_ =	shalt  }
0x5d: {  	_ =	shalt  }
0x5e: {  	_ =	shalt  }
0x5f: {  	_ =	shalt  }
0x60: {  	_ =	shalt  }
0x61: {  	_ =	shalt  }
0x62: {  	_ =	shalt  }
0x63: {  	_ =	shalt  }
0x64: {  	_ =	shalt  }
0x65: {  	_ =	shalt  }
0x66: {  	_ =	shalt  }
0x67: {  	_ =	shalt  }
0x68: {  	_ =	shalt  }
0x69: {  	_ =	shalt  }
0x6a: {  	_ =	shalt  }
0x6b: {  	_ =	shalt  }
0x6c: {  	_ =	shalt  }
0x6d: {  	_ =	shalt  }
0x6e: {  	_ =	shalt  }
0x6f: {  	_ =	shalt  }
0x70: {  	_ =	shalt  }
0x71: {  	_ =	shalt  }
0x72: {  	_ =	shalt  }
0x73: {  	_ =	shalt  }
0x74: {  	_ =	shalt  }
0x75: {  	_ =	shalt  }
0x76: {  	_ =	shalt  }
0x77: {  	_ =	shalt  }
0x78: {  	_ =	shalt  }
0x79: {  	_ =	shalt  }
0x7a: {  	_ =	shalt  }
0x7b: {  	_ =	shalt  }
0x7c: {  	_ =	shalt  }
0x7d: {  	_ =	shalt  }
0x7e: {  	_ =	shalt  }
0x7f: {  	_ =	shalt  }
0x80: {  	_ =	shalt  }
0x81: {  	_ =	shalt  }
0x82: {  	_ =	shalt  }
0x83: {  	_ =	shalt  }
0x84: {  	_ =	shalt  }
0x85: {  	_ =	shalt  }
0x86: {  	_ =	shalt  }
0x87: {  	_ =	shalt  }
.Lfunc_end0:
.L_simem_size_0:
called_computation_lowered:
.L_overlay_start_0:
0x88: {  	s2 =	sld [smem:$0x3FD9]  }
0x89: {  	s3 =	sld [smem:$0x3FFE];
	_ =	sdelay $0x1  }
0x8a: {  	s1 =	srdreg.scid  }
0x8b: {  	s0 =	sand.u32 $0x1, s1  }
0x8c: {  	s18 =	sshll.u32 s0, $0xA;
	s2 =	sadd.s32 s3, s2  }
0x8d: {  	s2 =	sadd.s32 s2, s18  }
0x8e: {  	[smem:$0x3FC6] =	sst s2  }
0x8f: {  	_ = 	snop  }
0x90: {  	s2 =	sld [smem:$0x3FC9]  }
0x91: {  	s19 =	sld [smem:$0x3FC8]  }
0x92: {  	s4 =	sld [smem:$0x3FD0];
	(tm) =	ssettm $0x1  }
0x93: {  	s5 =	sld [smem:$0x3FFB];
	_ =	sdelay $0x3  }
0x94: {  	_ =	strace s5  }
0x95: {  	s5 =	sld [smem:$0x3FFC];
	_ =	sdelay $0x3  }
0x96: {  	_ =	strace s5  }
0x97: {  	s5 =	sld [smem:$0x3FFD];
	_ =	sdelay $0x3  }
0x98: {  	_ =	strace s5  }
0x99: {  	_ =	strace $0x8FFFFFFF  }
0x9a: {  	s20 =	sld [smem:$0x3FDB];
	_ =	sdelay $0x1  }
0x9b: {  	s6 =	simm.s32 $_scs_section_size  }
0x9c: {  	s7 =	simm.s32 $_size__tile_overlayer_lowered;
	s8 =	simm.s32 $_tile_overlayer_lowered  }
0x9d: {  	s23 =	simm.s32 $0x1BFF;
	s22 =	sshll.u32 s8, $0x1;
	s5 =	sadd.s32 s6, s20  }
0x9e: {  	s9 =	simm.s32 $0x0;
	s21 =	sshll.u32 s7, $0x1;
	s7 =	sadd.s32 s22, s5  }
0x9f: {  	[timem:s9], [sflag:s23] =	dma.local [hbm:s7], s21  }
0xa0: {  	_ =	swait.ge [sflag:s23], s21  }
0xa1: {  	s6 =	ssub.s32 $0x0, s21;
	[sflag:s23] =	ssyncset.done $0x0  }
0xa2: {  	[sflag:s23] =	ssyncadd.s32 s6;
	_ =	sdelay $0x1  }
0xa3: {  	s24 =	simm.s32 $0x1B8B  }
0xa4: {  	_ =	swait.ge [sflag:s24], $0x1  }
0xa5: {  	[sflag:s24] =	ssyncset.done $0x0  }
0xa6: {  	s25 =	simm.s32 $0x1B8E;
	[sflag:s24] =	ssyncadd.s32 $0xFFFFFFFF  }
0xa7: {  	s26 =	simm.s32 $execute0_lowered;
	[smem:$0x3FD2] =	sst s25  }
0xa8: {  	s6 =	sshll.u32 s26, $0x1;
	_ =	strace $0x80000046;
	[dreg:$0x1] =	wrdreg $0xFFFFFFFF  }
0xa9: {  	s28 =	simm.s32 $_size_execute0_lowered;
	s5 =	sadd.s32 s5, s6;
	[dreg:$0x0] =	wrdreg $0x0  }
0xaa: {  	s6 =	sshll.u32 s28, $0x1;
	[dreg:$0x2] =	wrdreg s5  }
0xab: {  	[dreg:$0x3] =	wrdreg s6  }
0xac: {  	[dreg:$0x4] =	wrdreg $0xC0  }
0xad: {  	_ =	task [dreg:s9], $0x5FFFF  }
0xae: {  	[dreg:$0x1] =	wrdreg $0xFFFFFFFF  }
0xaf: {  	[dreg:$0x0] =	wrdreg $0x60  }
0xb0: {  	[dreg:$0x2] =	wrdreg s2  }
0xb1: {  	[dreg:$0x3] =	wrdreg s19  }
0xb2: {  	[dreg:$0x4] =	wrdreg s4  }
0xb3: {  	[dreg:$0x5] =	wrdreg $0x9  }
0xb4: {  	_ =	task.clear_ibuf [dreg:s9], $0x6FFFF;
	_ =	strace $0x90000046  }
0xb5: {  	s29 =	simm.s32 $0x9;
	_ =	strace $0x80000048  }
0xb6: {  	_ =	swait.ge [sflag:s29], $0x1  }
0xb7: {  	[sflag:s29] =	ssyncadd.s32 $0xFFFFFFFF  }
0xb8: {  	_ =	strace $0x90000048  }
0xb9: {  	_ =	sfence  }
0xba: {  	s30 =	sld [smem:$0x0];
	_ =	sdelay $0x2  }
0xbb: {  	s31 =	sshll.u32 s1, $0xD;
	s1 =	sshrl.u32 s1, $0x2  }
0xbc: {  	s3 =	sand.u32 $0x4000, s31;
	s1 =	sadd.s32 s1, s30  }
0xbd: {  	s0 =	sor.u32 s3, s0;
	s1 =	sshll.u32 s1, $0x11  }
0xbe: {  	s0 =	sor.u32 s1, s0  }
0xbf: {  	s0 =	sadd.s32 $0x8F2B, s0  }
0xc0: {  	[sflag:s0] =	ssyncadd.remote.s32 $0x1  }
0xc1: {  	_ =	sfence.sel $0xFFFF  }
0xc2: {  	[dreg:$0x0] =	wrdreg $0xFFFFFFFF;
	(pc) =	sbr.abs _section_cstart, $3  }
0xc3: {  	[dreg:$0x1] =	wrdreg $0xFFFFFFFF  }
0xc4: {  	_ =	task.clear_ibuf [dreg:s9], $0x2FFFF;
	_ =	strace $0x9FFFFFFF  }
0xc5: {  	(tm) =	ssettm $0x7FFFFFFF  }
tec
execute0_lowered:
.L_overlay_start_1:
0x0: {  	(tag) =	ssettag $0x1  }
0x1: {  	s0 =	rddreg [dreg:$0x0]  }
0x2: {  	s1 =	rddreg [dreg:$0x1]  }
0x3: {  	s2 =	rddreg [dreg:$0x2]  }
0x4: {  	s4 =	simm.s32 $0x0;
	s3 =	srdreg.scid;
	s8 =	stileid.u32  }
0x5: {  	s28 =	simm.s32 $0xF200;
	s29 =	simm.s32 $0xFA00;
	s30 =	simm.s32 $0x1  }
0x6: {  	s31 =	simm.s32 $0x10200;
	s13 =	simm.s32 $0x3;
	s16 =	simm.s32 $0x5  }
0x7: {  	s17 =	simm.s32 $0x4;
	s18 =	simm.s32 $0x6;
	[smem:$0x7FF] =	sst s4  }
0x8: {  	s3 =	sand.u32 $0x1, s3;
	s6 =	sshll.u32 s8, $0x1;
	s10 =	sshrl.u32 s8, $0x2  }
0x9: {  	s8 =	sadd.s32 $0x200, s1;
	s9 =	sadd.s32 $0x300, s1;
	_ =	strace $0x80000047  }
0xa: {  	s5 =	ssub.s32 $0x2, s3;
	s6 =	sand.u32 $0x6, s6;
	s23 =	sshll.u32 s10, $0x4  }
0xb: {  	s10 =	sshll.u32 s10, $0x16;
	s7 =	sshrl.u32 s5, $0x1;
	s3 =	sor.u32 s3, s6  }
.Ltmp0:
0xc: {  	s0 =	sadd.s32 s0, s23;
	s12 =	ssub.s32 s5, s7;
	(pc) =	sbr.rel .LBB2_1-.Ltmp0, $4  }
0xd: {  	s5 =	sshll.u32 s3, $0x9;
	s24 =	sshll.u32 s3, $0x8;
	s7 =	sadd.s32 $0x100, s1  }
0xe: {  	v2 =	vlaneseq.u32;
	s25 =	sshll.u32 s3, $0x13;
	s3 =	simm.s32 $0x14200;
	s0 =	sadd.s32 s24, s0  }
0xf: {  	vm0 =	vmmov $0xffff;
	v1 =	vshrl.u32 v2, $0x3;
	s11 =	sor.u32 s10, s25;
	s26 =	smax.u32 s12, $0x1;
	[dreg:$0x4] =	wrdreg s0  }
0x10: {  	v0 =	vand.u32 $0x7, v2;
	v2 =	vor.u32 $0x8, v2;
	v1 =	vmul.u32 $0x8, v1;
	s12 =	simm.s32 $0x0;
	[dreg:$0x5] =	wrdreg s26;
	s0 =	simm.s32 $0x2  }
.LBB2_12:
0x11: {  	_ =	swait.ge [sflag:s16], $0x4000  }
0x12: {  	[sflag:s16] =	ssyncset.done $0x0  }
0x13: {  	[sflag:s16] =	ssyncadd.s32 $0xFFFFC000  }
0x14: {  	_ =	swait.ge [sflag:s18], $0x4000  }
0x15: {  	s12 =	rddreg [dreg:$0x6]  }
0x16: {  	s6 =	rddreg [dreg:$0x5];
	s12 =	sadd.s32 $0x1, s12  }
0x17: {  	p0 =	sne.s32 s12, s6  }
.Ltmp1:
0x18: {  	_ = 	snop;
	(pc) =	sbr.rel @!p0 .LBB2_13-.Ltmp1, $3  }
0x19: {  	_ =	sdelay $0x1  }
0x1a: {  	[sflag:s18] =	ssyncset.done $0x0  }
0x1b: {  	[sflag:s18] =	ssyncadd.s32 $0xFFFFC000  }
.LBB2_1:
0x1c: {  	[dreg:$0x6] =	wrdreg s12  }
0x1d: {  	s6 =	rddreg [dreg:$0x4]  }
0x1e: {  	s15 =	simm.s32 $0x80;
	s14 =	simm.s32 $0x200;
	s19 =	simm.s32 $0x7  }
0x1f: {  	[tilespmem:s4], [sflag:$0x7] =	stream.strided.gather [hbm4b:s6+s15], $0x200, s14, s15, $0x38;
	[tilespmem:$0x18200] =	vst v63  }
0x20: {  	_ =	swait.ge [sflag:s19], $0x200  }
0x21: {  	[sflag:s19] =	ssyncset.done $0x0  }
0x22: {  	[sflag:s19] =	ssyncadd.s32 $0xFFFFFE00  }
0x23: {  	v3 =	vld [tilespmem:$0x0];
	_ =	sdelay $0x4  }
0x24: {  	v4 =	vshll.u32 v3, $0x3  }
0x25: {  	v3 =	vand.u32 $0x7, v3;
	v4 =	vand.u32 $0xFFFFFFC0, v4  }
0x26: {  	v3 =	vor.u32 v3, v4  }
0x27: {  	v4 =	vperm.xlane v3, v0;
	_ =	sdelay $0x1  }
0x28: {  	v4 =	vadd.s32 v1, v4;
	_ =	sdelay $0x4  }
0x29: {  	[tilespmem:s14], [sflag:$0x1] =	stream.indirect_vreg.gather [hbm4b:s1+s4], $0x80, v4, vm0, $0xb8;
	[tilespmem:$0x18200] =	vst v63  }
0x2a: {  	s20 =	simm.s32 $0xA00;
	v3 =	vperm.xlane v3, v2  }
0x2b: {  	[tilespmem:s20], [sflag:$0x1] =	stream.indirect_vreg.gather [hbm4b:s7+s4], $0x80, v4, vm0, $0xb8;
	[tilespmem:$0x18200] =	vst v63  }
0x2c: {  	s21 =	simm.s32 $0x1200;
	v3 =	vadd.s32 v1, v3  }
0x2d: {  	[tilespmem:s21], [sflag:$0x1] =	stream.indirect_vreg.gather [hbm4b:s8+s4], $0x80, v4, vm0, $0xb8;
	[tilespmem:$0x18200] =	vst v63  }
0x2e: {  	s22 =	simm.s32 $0x1A00  }
0x2f: {  	[tilespmem:s22], [sflag:$0x1] =	stream.indirect_vreg.gather [hbm4b:s9+s4], $0x80, v4, vm0, $0xb8;
	[tilespmem:$0x18200] =	vst v63  }
0x30: {  	s23 =	simm.s32 $0x2200  }
0x31: {  	[tilespmem:s23], [sflag:$0x1] =	stream.indirect_vreg.gather [hbm4b:s1+s4], $0x80, v3, vm0, $0xb8;
	[tilespmem:$0x18200] =	vst v63  }
0x32: {  	s24 =	simm.s32 $0x2A00  }
0x33: {  	[tilespmem:s24], [sflag:$0x1] =	stream.indirect_vreg.gather [hbm4b:s7+s4], $0x80, v3, vm0, $0xb8;
	[tilespmem:$0x18200] =	vst v63  }
0x34: {  	s25 =	simm.s32 $0x3200  }
0x35: {  	[tilespmem:s25], [sflag:$0x1] =	stream.indirect_vreg.gather [hbm4b:s8+s4], $0x80, v3, vm0, $0xb8;
	[tilespmem:$0x18200] =	vst v63  }
0x36: {  	s26 =	simm.s32 $0x3A00  }
0x37: {  	[tilespmem:s26], [sflag:$0x1] =	stream.indirect_vreg.gather [hbm4b:s9+s4], $0x80, v3, vm0, $0xb8;
	[tilespmem:$0x18200] =	vst v63  }
0x38: {  	v3 =	vld [tilespmem:$0x10];
	_ =	sdelay $0x4  }
0x39: {  	v61 =	vshll.u32 v3, $0x3  }
0x3a: {  	v3 =	vand.u32 $0x7, v3;
	v4 =	vand.u32 $0xFFFFFFC0, v61  }
0x3b: {  	v3 =	vor.u32 v3, v4  }
0x3c: {  	v4 =	vperm.xlane v3, v0;
	_ =	sdelay $0x1  }
0x3d: {  	v4 =	vadd.s32 v1, v4;
	_ =	sdelay $0x3  }
0x3e: {  	s12 =	simm.s32 $0x4200  }
0x3f: {  	[tilespmem:s12], [sflag:$0x2] =	stream.indirect_vreg.gather [hbm4b:s1+s4], $0x80, v4, vm0, $0xb8;
	[tilespmem:$0x18200] =	vst v63  }
0x40: {  	s14 =	simm.s32 $0x4A00;
	v3 =	vperm.xlane v3, v2  }
0x41: {  	[tilespmem:s14], [sflag:$0x2] =	stream.indirect_vreg.gather [hbm4b:s7+s4], $0x80, v4, vm0, $0xb8;
	[tilespmem:$0x18200] =	vst v63  }
0x42: {  	s15 =	simm.s32 $0x5200;
	v3 =	vadd.s32 v1, v3  }
0x43: {  	[tilespmem:s15], [sflag:$0x2] =	stream.indirect_vreg.gather [hbm4b:s8+s4], $0x80, v4, vm0, $0xb8;
	[tilespmem:$0x18200] =	vst v63  }
0x44: {  	s19 =	simm.s32 $0x5A00  }
0x45: {  	[tilespmem:s19], [sflag:$0x2] =	stream.indirect_vreg.gather [hbm4b:s9+s4], $0x80, v4, vm0, $0xb8;
	[tilespmem:$0x18200] =	vst v63  }
0x46: {  	s20 =	simm.s32 $0x6200  }
0x47: {  	[tilespmem:s20], [sflag:$0x2] =	stream.indirect_vreg.gather [hbm4b:s1+s4], $0x80, v3, vm0, $0xb8;
	[tilespmem:$0x18200] =	vst v63  }
0x48: {  	s21 =	simm.s32 $0x6A00  }
0x49: {  	[tilespmem:s21], [sflag:$0x2] =	stream.indirect_vreg.gather [hbm4b:s7+s4], $0x80, v3, vm0, $0xb8;
	[tilespmem:$0x18200] =	vst v63  }
0x4a: {  	s22 =	simm.s32 $0x7200  }
0x4b: {  	[tilespmem:s22], [sflag:$0x2] =	stream.indirect_vreg.gather [hbm4b:s8+s4], $0x80, v3, vm0, $0xb8;
	[tilespmem:$0x18200] =	vst v63  }
0x4c: {  	s23 =	simm.s32 $0x7A00  }
0x4d: {  	[tilespmem:s23], [sflag:$0x2] =	stream.indirect_vreg.gather [hbm4b:s9+s4], $0x80, v3, vm0, $0xb8;
	[tilespmem:$0x18200] =	vst v63  }
0x4e: {  	v3 =	vld [tilespmem:$0x20];
	_ =	sdelay $0x4  }
0x4f: {  	v62 =	vshll.u32 v3, $0x3  }
0x50: {  	v3 =	vand.u32 $0x7, v3;
	v4 =	vand.u32 $0xFFFFFFC0, v62  }
0x51: {  	v3 =	vor.u32 v3, v4  }
0x52: {  	v4 =	vperm.xlane v3, v0;
	_ =	sdelay $0x1  }
0x53: {  	v4 =	vadd.s32 v1, v4;
	_ =	sdelay $0x3  }
0x54: {  	s24 =	simm.s32 $0x8200  }
0x55: {  	[tilespmem:s24], [sflag:$0x3] =	stream.indirect_vreg.gather [hbm4b:s1+s4], $0x80, v4, vm0, $0xb8;
	[tilespmem:$0x18200] =	vst v63  }
0x56: {  	s25 =	simm.s32 $0x8A00;
	v3 =	vperm.xlane v3, v2  }
0x57: {  	[tilespmem:s25], [sflag:$0x3] =	stream.indirect_vreg.gather [hbm4b:s7+s4], $0x80, v4, vm0, $0xb8;
	[tilespmem:$0x18200] =	vst v63  }
0x58: {  	s26 =	simm.s32 $0x9200;
	v3 =	vadd.s32 v1, v3  }
0x59: {  	[tilespmem:s26], [sflag:$0x3] =	stream.indirect_vreg.gather [hbm4b:s8+s4], $0x80, v4, vm0, $0xb8;
	[tilespmem:$0x18200] =	vst v63  }
0x5a: {  	s12 =	simm.s32 $0x9A00  }
0x5b: {  	[tilespmem:s12], [sflag:$0x3] =	stream.indirect_vreg.gather [hbm4b:s9+s4], $0x80, v4, vm0, $0xb8;
	[tilespmem:$0x18200] =	vst v63  }
0x5c: {  	s14 =	simm.s32 $0xA200  }
0x5d: {  	[tilespmem:s14], [sflag:$0x3] =	stream.indirect_vreg.gather [hbm4b:s1+s4], $0x80, v3, vm0, $0xb8;
	[tilespmem:$0x18200] =	vst v63  }
0x5e: {  	s15 =	simm.s32 $0xAA00  }
0x5f: {  	[tilespmem:s15], [sflag:$0x3] =	stream.indirect_vreg.gather [hbm4b:s7+s4], $0x80, v3, vm0, $0xb8;
	[tilespmem:$0x18200] =	vst v63  }
0x60: {  	s19 =	simm.s32 $0xB200  }
0x61: {  	[tilespmem:s19], [sflag:$0x3] =	stream.indirect_vreg.gather [hbm4b:s8+s4], $0x80, v3, vm0, $0xb8;
	[tilespmem:$0x18200] =	vst v63  }
0x62: {  	s20 =	simm.s32 $0xBA00  }
0x63: {  	[tilespmem:s20], [sflag:$0x3] =	stream.indirect_vreg.gather [hbm4b:s9+s4], $0x80, v3, vm0, $0xb8;
	[tilespmem:$0x18200] =	vst v63  }
0x64: {  	v3 =	vld [tilespmem:$0x30];
	_ =	sdelay $0x4  }
0x65: {  	v63 =	vshll.u32 v3, $0x3  }
0x66: {  	v3 =	vand.u32 $0x7, v3;
	v4 =	vand.u32 $0xFFFFFFC0, v63  }
0x67: {  	v3 =	vor.u32 v3, v4  }
0x68: {  	v4 =	vperm.xlane v3, v0;
	_ =	sdelay $0x1  }
0x69: {  	v4 =	vadd.s32 v1, v4;
	_ =	sdelay $0x3  }
0x6a: {  	s21 =	simm.s32 $0xC200  }
0x6b: {  	[tilespmem:s21], [sflag:$0x4] =	stream.indirect_vreg.gather [hbm4b:s1+s4], $0x80, v4, vm0, $0xb8;
	[tilespmem:$0x18200] =	vst v63  }
0x6c: {  	s22 =	simm.s32 $0xCA00;
	v3 =	vperm.xlane v3, v2  }
0x6d: {  	[tilespmem:s22], [sflag:$0x4] =	stream.indirect_vreg.gather [hbm4b:s7+s4], $0x80, v4, vm0, $0xb8;
	[tilespmem:$0x18200] =	vst v63  }
0x6e: {  	s23 =	simm.s32 $0xD200;
	v3 =	vadd.s32 v1, v3  }
0x6f: {  	[tilespmem:s23], [sflag:$0x4] =	stream.indirect_vreg.gather [hbm4b:s8+s4], $0x80, v4, vm0, $0xb8;
	[tilespmem:$0x18200] =	vst v63  }
0x70: {  	s24 =	simm.s32 $0xDA00  }
0x71: {  	[tilespmem:s24], [sflag:$0x4] =	stream.indirect_vreg.gather [hbm4b:s9+s4], $0x80, v4, vm0, $0xb8;
	[tilespmem:$0x18200] =	vst v63  }
0x72: {  	s25 =	simm.s32 $0xE200  }
0x73: {  	[tilespmem:s25], [sflag:$0x4] =	stream.indirect_vreg.gather [hbm4b:s1+s4], $0x80, v3, vm0, $0xb8;
	[tilespmem:$0x18200] =	vst v63  }
0x74: {  	s26 =	simm.s32 $0xEA00  }
0x75: {  	[tilespmem:s26], [sflag:$0x4] =	stream.indirect_vreg.gather [hbm4b:s7+s4], $0x80, v3, vm0, $0xb8;
	[tilespmem:$0x18200] =	vst v63  }
0x76: {  	_ = 	snop  }
0x77: {  	[tilespmem:s28], [sflag:$0x4] =	stream.indirect_vreg.gather [hbm4b:s8+s4], $0x80, v3, vm0, $0xb8;
	[tilespmem:$0x18200] =	vst v63  }
0x78: {  	s20 =	simm.s32 $0x0  }
0x79: {  	[tilespmem:s29], [sflag:$0x4] =	stream.indirect_vreg.gather [hbm4b:s9+s4], $0x80, v3, vm0, $0xb8;
	[tilespmem:$0x18200] =	vst v63  }
.LBB2_2:
0x7a: {  	_ =	swait.ge [sflag:s30], $0x4000;
	p1 =	seq.s32 s20, $0x0  }
0x7b: {  	s12 =	simm.s32 $0x0;
	s14 =	simm.s32 $0x0;
	[sflag:s30] =	ssyncset.done $0x0  }
0x7c: {  	s15 =	simm.s32 $0x0;
	s6 =	simm.s32 @!p1 $0x5;
	[sflag:s30] =	ssyncadd.s32 $0xFFFFC000  }
0x7d: {  	s14 =	sand.u32 $0x2000, s14;
	s12 =	sand.u32 $0x1C00, s12;
	_ =	swait.ge @!p1 [sflag:s6], $0x4000  }
0x7e: {  	s22 =	sand.u32 $0x380, s15;
	s12 =	sor.u32 s12, s14;
	[sflag:s6] =	ssyncset.done @!p1 $0x0  }
0x7f: {  	s12 =	sor.u32 s22, s12;
	[sflag:s6] =	ssyncadd.s32 @!p1 $0xFFFFC000  }
0x80: {  	v3 =	vld [tilespmem:s12+$0x270]  }
0x81: {  	v4 =	vld [tilespmem:s12+$0x200]  }
0x82: {  	v5 =	vld [tilespmem:s12+$0x210]  }
0x83: {  	v6 =	vld [tilespmem:s12+$0x220]  }
0x84: {  	s23 =	simm.s32 $0x400;
	s24 =	simm.s32 $0x80;
	v8 =	vld [tilespmem:s12+$0x230]  }
0x85: {  	s25 =	simm.s32 $0x10;
	s14 =	sand.u32 $0x2000, s24;
	s6 =	sand.u32 $0x1C00, s23;
	v9 =	vld [tilespmem:s12+$0x240];
	v3 =	vmul.f32 $3.200000000e+01, v3  }
0x86: {  	s26 =	sand.u32 $0x380, s25;
	v10 =	vld [tilespmem:s12+$0x250];
	s6 =	sor.u32 s6, s14;
	v4 =	vmul.f32 $3.200000000e+01, v4  }
0x87: {  	v11 =	vld [tilespmem:s12+$0x260];
	s6 =	sor.u32 s26, s6;
	[tilespmem:s12+$0x10270] =	vst v3;
	v3 =	vmul.f32 $3.200000000e+01, v5  }
0x88: {  	v6 =	vmul.f32 $3.200000000e+01, v6;
	v7 =	vld [tilespmem:s6+$0x270];
	[tilespmem:s12+$0x10200] =	vst v4  }
0x89: {  	v8 =	vmul.f32 $3.200000000e+01, v8;
	v5 =	vld [tilespmem:s6+$0x200];
	[tilespmem:s12+$0x10210] =	vst v3  }
0x8a: {  	v9 =	vmul.f32 $3.200000000e+01, v9;
	v4 =	vld [tilespmem:s6+$0x210];
	[tilespmem:s12+$0x10220] =	vst v6  }
0x8b: {  	s21 =	simm.s32 $0x20;
	s19 =	simm.s32 $0x3;
	v3 =	vld [tilespmem:s6+$0x220];
	[tilespmem:s12+$0x10230] =	vst v8;
	v8 =	vmul.f32 $3.200000000e+01, v10  }
0x8c: {  	s15 =	simm.s32 $0x800;
	s22 =	simm.s32 $0x100;
	s14 =	sshll.u32 s20, $0x8;
	v6 =	vld [tilespmem:s6+$0x230];
	[tilespmem:s12+$0x10240] =	vst v9;
	v9 =	vmul.f32 $3.200000000e+01, v11  }
.LBB2_3:
0x8d: {  	p0 =	sne.s32 s19, $0x7F;
	s22 =	sand.u32 $0x2000, s22;
	s23 =	sand.u32 $0x1C00, s15;
	v10 =	vld [tilespmem:s6+$0x240];
	v7 =	vmul.f32 $3.200000000e+01, v7;
	[tilespmem:s12+$0x10250] =	vst v8  }
0x8e: {  	s21 =	sand.u32 $0x380, s21;
	s22 =	sor.u32 s23, s22;
	v5 =	vmul.f32 $3.200000000e+01, v5;
	v8 =	vld [tilespmem:s6+$0x250];
	[tilespmem:s12+$0x10260] =	vst v9;
	s12 =	smov.u32 s6  }
0x8f: {  	s6 =	sor.u32 s21, s22;
	v4 =	vmul.f32 $3.200000000e+01, v4;
	v9 =	vld [tilespmem:s12+$0x260];
	[tilespmem:s12+$0x10270] =	vst v7  }
.Ltmp2:
0x90: {  	v7 =	vld [tilespmem:s6+$0x270];
	[tilespmem:s12+$0x10200] =	vst v5;
	v3 =	vmul.f32 $3.200000000e+01, v3;
	(pc) =	sbr.rel @p0 .LBB2_3-.Ltmp2, $4  }
0x91: {  	v5 =	vld [tilespmem:s6+$0x200];
	[tilespmem:s12+$0x10210] =	vst v4;
	v6 =	vmul.f32 $3.200000000e+01, v6  }
0x92: {  	v4 =	vld [tilespmem:s6+$0x210];
	[tilespmem:s12+$0x10220] =	vst v3;
	v10 =	vmul.f32 $3.200000000e+01, v10  }
0x93: {  	s15 =	sadd.s32 $0x400, s15;
	v3 =	vld [tilespmem:s6+$0x220];
	[tilespmem:s12+$0x10230] =	vst v6;
	v8 =	vmul.f32 $3.200000000e+01, v8  }
0x94: {  	s22 =	sshll.u32 s19, $0x7;
	s21 =	sshll.u32 s19, $0x4;
	s19 =	sadd.s32 $0x1, s19;
	v6 =	vld [tilespmem:s6+$0x230];
	[tilespmem:s12+$0x10240] =	vst v10;
	v9 =	vmul.f32 $3.200000000e+01, v9  }
0x95: {  	v10 =	vld [tilespmem:s6+$0x240];
	[tilespmem:s12+$0x10250] =	vst v8;
	s19 =	sand.u32 $0x2000, s22;
	s15 =	sand.u32 $0x1C00, s15;
	v7 =	vmul.f32 $3.200000000e+01, v7  }
0x96: {  	s22 =	sand.u32 $0x380, s21;
	v8 =	vld [tilespmem:s6+$0x250];
	[tilespmem:s12+$0x10260] =	vst v9;
	s19 =	sor.u32 s15, s19;
	v5 =	vmul.f32 $3.200000000e+01, v5  }
0x97: {  	v9 =	vld [tilespmem:s6+$0x260];
	s12 =	sor.u32 s22, s19;
	[tilespmem:s6+$0x10270] =	vst v7;
	v4 =	vmul.f32 $3.200000000e+01, v4  }
0x98: {  	v7 =	vld [tilespmem:s12+$0x270];
	[tilespmem:s6+$0x10200] =	vst v5;
	v3 =	vmul.f32 $3.200000000e+01, v3  }
0x99: {  	v5 =	vld [tilespmem:s12+$0x200];
	[tilespmem:s6+$0x10210] =	vst v4;
	v6 =	vmul.f32 $3.200000000e+01, v6  }
0x9a: {  	v4 =	vld [tilespmem:s12+$0x210];
	[tilespmem:s6+$0x10220] =	vst v3;
	v10 =	vmul.f32 $3.200000000e+01, v10  }
0x9b: {  	v3 =	vld [tilespmem:s12+$0x220];
	[tilespmem:s6+$0x10230] =	vst v6;
	v8 =	vmul.f32 $3.200000000e+01, v8  }
0x9c: {  	v6 =	vld [tilespmem:s12+$0x230];
	[tilespmem:s6+$0x10240] =	vst v10;
	v9 =	vmul.f32 $3.200000000e+01, v9  }
0x9d: {  	v10 =	vld [tilespmem:s12+$0x240];
	[tilespmem:s6+$0x10250] =	vst v8;
	v7 =	vmul.f32 $3.200000000e+01, v7  }
0x9e: {  	v8 =	vld [tilespmem:s12+$0x250];
	v5 =	vmul.f32 $3.200000000e+01, v5;
	[tilespmem:s6+$0x10260] =	vst v9  }
0x9f: {  	v4 =	vmul.f32 $3.200000000e+01, v4;
	v9 =	vld [tilespmem:s12+$0x260];
	[tilespmem:s12+$0x10270] =	vst v7  }
0xa0: {  	[tilespmem:s12+$0x10200] =	vst v5;
	v3 =	vmul.f32 $3.200000000e+01, v3  }
0xa1: {  	[tilespmem:s12+$0x10210] =	vst v4;
	v4 =	vmul.f32 $3.200000000e+01, v6  }
0xa2: {  	[tilespmem:s12+$0x10220] =	vst v3;
	v3 =	vmul.f32 $3.200000000e+01, v10  }
0xa3: {  	s23 =	sshll.u32 s20, $0x10;
	[tilespmem:s12+$0x10230] =	vst v4;
	v4 =	vmul.f32 $3.200000000e+01, v8  }
0xa4: {  	s6 =	sadd.s32 s11, s23;
	[tilespmem:s12+$0x10240] =	vst v3;
	v3 =	vmul.f32 $3.200000000e+01, v9  }
0xa5: {  	s6 =	sshrl.u32 s6, $0x3;
	[tilespmem:s12+$0x10250] =	vst v4  }
0xa6: {  	p0 =	seq.s32 s20, $0x7;
	s6 =	sadd.s32 s2, s6;
	[tilespmem:s12+$0x10260] =	vst v3  }
0xa7: {  	[hbm4b:s6+s4] =	stream.linear.scatter [tilespmem:s31], [sflag:$0x5], $0x4000, $0x38;
	[tilespmem:$0x18200] =	vst v63  }
0xa8: {  	s6 =	sshrl.u32 @!p0 s14, $0x2  }
0xa9: {  	v3 =	vld @!p0 [tilespmem:s6+$0x40];
	_ =	sdelay $0x4  }
0xaa: {  	v4 =	vshll.u32 @!p0 v3, $0x3  }
0xab: {  	v5 =	vlaneseq.u32 @!p0;
	v3 =	vand.u32 @!p0 $0x7, v3;
	v4 =	vand.u32 @!p0 $0xFFFFFFC0, v4  }
0xac: {  	v6 =	vshrl.u32 @!p0 v5, $0x3;
	v3 =	vor.u32 @!p0 v3, v4;
	v4 =	vand.u32 @!p0 $0x7, v5  }
0xad: {  	v6 =	vmul.u32 @!p0 $0x8, v6;
	v4 =	vperm.xlane @!p0 v3, v4;
	_ =	sdelay $0x1  }
0xae: {  	v4 =	vadd.s32 @!p0 v6, v4;
	_ =	sdelay $0x3  }
0xaf: {  	vm1 =	vmmov @!p0 $0xffff;
	s15 =	simm.s32 @!p0 $0x200;
	s12 =	simm.s32 @!p0 $0x0  }
0xb0: {  	v5 =	vor.u32 @!p0 $0x8, v5;
	[tilespmem:s15], [sflag:$0x1] =	stream.indirect_vreg.gather @!p0 [hbm4b:s1+s12], $0x80, v4, vm1, $0xb8;
	[tilespmem:$0x18200] =	vst v63  }
0xb1: {  	v3 =	vperm.xlane @!p0 v3, v5;
	s15 =	simm.s32 @!p0 $0xA00  }
0xb2: {  	[tilespmem:s15], [sflag:$0x1] =	stream.indirect_vreg.gather @!p0 [hbm4b:s7+s12], $0x80, v4, vm1, $0xb8;
	[tilespmem:$0x18200] =	vst v63  }
0xb3: {  	v3 =	vadd.s32 @!p0 v6, v3;
	s15 =	simm.s32 @!p0 $0x1200  }
0xb4: {  	[tilespmem:s15], [sflag:$0x1] =	stream.indirect_vreg.gather @!p0 [hbm4b:s8+s12], $0x80, v4, vm1, $0xb8;
	[tilespmem:$0x18200] =	vst v63  }
0xb5: {  	s15 =	simm.s32 @!p0 $0x1A00  }
0xb6: {  	[tilespmem:s15], [sflag:$0x1] =	stream.indirect_vreg.gather @!p0 [hbm4b:s9+s12], $0x80, v4, vm1, $0xb8;
	[tilespmem:$0x18200] =	vst v63  }
0xb7: {  	s15 =	simm.s32 @!p0 $0x2200  }
0xb8: {  	[tilespmem:s15], [sflag:$0x1] =	stream.indirect_vreg.gather @!p0 [hbm4b:s1+s12], $0x80, v3, vm1, $0xb8;
	[tilespmem:$0x18200] =	vst v63  }
0xb9: {  	s15 =	simm.s32 @!p0 $0x2A00  }
0xba: {  	[tilespmem:s15], [sflag:$0x1] =	stream.indirect_vreg.gather @!p0 [hbm4b:s7+s12], $0x80, v3, vm1, $0xb8;
	[tilespmem:$0x18200] =	vst v63  }
0xbb: {  	s15 =	simm.s32 @!p0 $0x3200  }
0xbc: {  	[tilespmem:s15], [sflag:$0x1] =	stream.indirect_vreg.gather @!p0 [hbm4b:s8+s12], $0x80, v3, vm1, $0xb8;
	[tilespmem:$0x18200] =	vst v63  }
0xbd: {  	s15 =	simm.s32 @!p0 $0x3A00  }
0xbe: {  	[tilespmem:s15], [sflag:$0x1] =	stream.indirect_vreg.gather @!p0 [hbm4b:s9+s12], $0x80, v3, vm1, $0xb8;
	[tilespmem:$0x18200] =	vst v63  }
0xbf: {  	_ =	swait.ge [sflag:s0], $0x4000  }
0xc0: {  	s24 =	simm.s32 $0x0;
	s25 =	simm.s32 $0x0;
	[sflag:s0] =	ssyncset.done $0x0  }
0xc1: {  	s26 =	simm.s32 $0x0;
	s12 =	simm.s32 @!p1 $0x6;
	[sflag:s0] =	ssyncadd.s32 $0xFFFFC000  }
0xc2: {  	s19 =	sand.u32 $0x2000, s25;
	s15 =	sand.u32 $0x1C00, s24;
	_ =	swait.ge @!p1 [sflag:s12], $0x4000  }
0xc3: {  	s21 =	sand.u32 $0x380, s26;
	s15 =	sor.u32 s15, s19;
	[sflag:s12] =	ssyncset.done @!p1 $0x0  }
0xc4: {  	s21 =	sor.u32 s21, s15;
	[sflag:s12] =	ssyncadd.s32 @!p1 $0xFFFFC000  }
0xc5: {  	v3 =	vld [tilespmem:s21+$0x4270]  }
0xc6: {  	v4 =	vld [tilespmem:s21+$0x4200]  }
0xc7: {  	v5 =	vld [tilespmem:s21+$0x4210]  }
0xc8: {  	v7 =	vld [tilespmem:s21+$0x4220]  }
0xc9: {  	s22 =	simm.s32 $0x400;
	s23 =	simm.s32 $0x80;
	v8 =	vld [tilespmem:s21+$0x4230]  }
0xca: {  	s24 =	simm.s32 $0x10;
	s15 =	sand.u32 $0x2000, s23;
	s12 =	sand.u32 $0x1C00, s22;
	v9 =	vld [tilespmem:s21+$0x4240];
	v3 =	vmul.f32 $3.200000000e+01, v3  }
0xcb: {  	s25 =	sand.u32 $0x380, s24;
	v10 =	vld [tilespmem:s21+$0x4250];
	s12 =	sor.u32 s12, s15;
	v4 =	vmul.f32 $3.200000000e+01, v4  }
0xcc: {  	v11 =	vld [tilespmem:s21+$0x4260];
	s15 =	sor.u32 s25, s12;
	[tilespmem:s21+$0x14270] =	vst v3;
	v3 =	vmul.f32 $3.200000000e+01, v5  }
0xcd: {  	v7 =	vmul.f32 $3.200000000e+01, v7;
	v6 =	vld [tilespmem:s15+$0x4270];
	[tilespmem:s21+$0x14200] =	vst v4  }
0xce: {  	v8 =	vmul.f32 $3.200000000e+01, v8;
	v5 =	vld [tilespmem:s15+$0x4200];
	[tilespmem:s21+$0x14210] =	vst v3  }
0xcf: {  	s26 =	sshll.u32 s20, $0x6;
	v9 =	vmul.f32 $3.200000000e+01, v9;
	v4 =	vld [tilespmem:s15+$0x4210];
	[tilespmem:s21+$0x14220] =	vst v7  }
0xd0: {  	s24 =	simm.s32 $0x20;
	s23 =	simm.s32 $0x3;
	s12 =	sadd.s32 s26, s5;
	v3 =	vld [tilespmem:s15+$0x4220];
	[tilespmem:s21+$0x14230] =	vst v8;
	v8 =	vmul.f32 $3.200000000e+01, v10  }
0xd1: {  	s22 =	simm.s32 $0x800;
	s25 =	simm.s32 $0x100;
	s19 =	sadd.s32 $0x10, s12;
	v7 =	vld [tilespmem:s15+$0x4230];
	[tilespmem:s21+$0x14240] =	vst v9;
	v9 =	vmul.f32 $3.200000000e+01, v11  }
.LBB2_5:
0xd2: {  	p1 =	sne.s32 s23, $0x7F;
	s25 =	sand.u32 $0x2000, s25;
	s26 =	sand.u32 $0x1C00, s22;
	v10 =	vld [tilespmem:s15+$0x4240];
	v6 =	vmul.f32 $3.200000000e+01, v6;
	[tilespmem:s21+$0x14250] =	vst v8  }
0xd3: {  	s24 =	sand.u32 $0x380, s24;
	s25 =	sor.u32 s26, s25;
	v5 =	vmul.f32 $3.200000000e+01, v5;
	v8 =	vld [tilespmem:s15+$0x4250];
	[tilespmem:s21+$0x14260] =	vst v9;
	s21 =	smov.u32 s15  }
0xd4: {  	s15 =	sor.u32 s24, s25;
	v4 =	vmul.f32 $3.200000000e+01, v4;
	v9 =	vld [tilespmem:s21+$0x4260];
	[tilespmem:s21+$0x14270] =	vst v6  }
.Ltmp3:
0xd5: {  	v6 =	vld [tilespmem:s15+$0x4270];
	[tilespmem:s21+$0x14200] =	vst v5;
	v3 =	vmul.f32 $3.200000000e+01, v3;
	(pc) =	sbr.rel @p1 .LBB2_5-.Ltmp3, $4  }
0xd6: {  	v5 =	vld [tilespmem:s15+$0x4200];
	[tilespmem:s21+$0x14210] =	vst v4;
	v7 =	vmul.f32 $3.200000000e+01, v7  }
0xd7: {  	v4 =	vld [tilespmem:s15+$0x4210];
	[tilespmem:s21+$0x14220] =	vst v3;
	v10 =	vmul.f32 $3.200000000e+01, v10  }
0xd8: {  	s22 =	sadd.s32 $0x400, s22;
	v3 =	vld [tilespmem:s15+$0x4220];
	[tilespmem:s21+$0x14230] =	vst v7;
	v8 =	vmul.f32 $3.200000000e+01, v8  }
0xd9: {  	s25 =	sshll.u32 s23, $0x7;
	s24 =	sshll.u32 s23, $0x4;
	s23 =	sadd.s32 $0x1, s23;
	v7 =	vld [tilespmem:s15+$0x4230];
	[tilespmem:s21+$0x14240] =	vst v10;
	v9 =	vmul.f32 $3.200000000e+01, v9  }
0xda: {  	v10 =	vld [tilespmem:s15+$0x4240];
	[tilespmem:s21+$0x14250] =	vst v8;
	s23 =	sand.u32 $0x2000, s25;
	s22 =	sand.u32 $0x1C00, s22;
	v6 =	vmul.f32 $3.200000000e+01, v6  }
0xdb: {  	s26 =	sand.u32 $0x380, s24;
	v8 =	vld [tilespmem:s15+$0x4250];
	[tilespmem:s21+$0x14260] =	vst v9;
	s25 =	sor.u32 s22, s23;
	v5 =	vmul.f32 $3.200000000e+01, v5  }
0xdc: {  	v9 =	vld [tilespmem:s15+$0x4260];
	s21 =	sor.u32 s26, s25;
	[tilespmem:s15+$0x14270] =	vst v6;
	v4 =	vmul.f32 $3.200000000e+01, v4  }
0xdd: {  	v6 =	vld [tilespmem:s21+$0x4270];
	[tilespmem:s15+$0x14200] =	vst v5;
	v3 =	vmul.f32 $3.200000000e+01, v3  }
0xde: {  	v5 =	vld [tilespmem:s21+$0x4200];
	[tilespmem:s15+$0x14210] =	vst v4;
	v7 =	vmul.f32 $3.200000000e+01, v7  }
0xdf: {  	v4 =	vld [tilespmem:s21+$0x4210];
	[tilespmem:s15+$0x14220] =	vst v3;
	v10 =	vmul.f32 $3.200000000e+01, v10  }
0xe0: {  	v3 =	vld [tilespmem:s21+$0x4220];
	[tilespmem:s15+$0x14230] =	vst v7;
	v8 =	vmul.f32 $3.200000000e+01, v8  }
0xe1: {  	v7 =	vld [tilespmem:s21+$0x4230];
	[tilespmem:s15+$0x14240] =	vst v10;
	v9 =	vmul.f32 $3.200000000e+01, v9  }
0xe2: {  	v10 =	vld [tilespmem:s21+$0x4240];
	[tilespmem:s15+$0x14250] =	vst v8;
	v6 =	vmul.f32 $3.200000000e+01, v6  }
0xe3: {  	v8 =	vld [tilespmem:s21+$0x4250];
	v5 =	vmul.f32 $3.200000000e+01, v5;
	[tilespmem:s15+$0x14260] =	vst v9  }
0xe4: {  	v4 =	vmul.f32 $3.200000000e+01, v4;
	v9 =	vld [tilespmem:s21+$0x4260];
	[tilespmem:s21+$0x14270] =	vst v6  }
0xe5: {  	[tilespmem:s21+$0x14200] =	vst v5;
	v3 =	vmul.f32 $3.200000000e+01, v3  }
0xe6: {  	[tilespmem:s21+$0x14210] =	vst v4;
	v4 =	vmul.f32 $3.200000000e+01, v7  }
0xe7: {  	[tilespmem:s21+$0x14220] =	vst v3;
	v3 =	vmul.f32 $3.200000000e+01, v10  }
0xe8: {  	s23 =	sshll.u32 s19, $0xA;
	[tilespmem:s21+$0x14230] =	vst v4;
	v4 =	vmul.f32 $3.200000000e+01, v8  }
0xe9: {  	s15 =	sadd.s32 s10, s23;
	[tilespmem:s21+$0x14240] =	vst v3;
	v3 =	vmul.f32 $3.200000000e+01, v9  }
0xea: {  	s15 =	sshrl.u32 s15, $0x3;
	[tilespmem:s21+$0x14250] =	vst v4  }
0xeb: {  	s15 =	sadd.s32 s2, s15;
	[tilespmem:s21+$0x14260] =	vst v3  }
0xec: {  	[hbm4b:s15+s4] =	stream.linear.scatter [tilespmem:s3], [sflag:$0x6], $0x4000, $0x38;
	[tilespmem:$0x18200] =	vst v63  }
0xed: {  	v3 =	vld @!p0 [tilespmem:s6+$0x50];
	_ =	sdelay $0x4  }
0xee: {  	v4 =	vshll.u32 @!p0 v3, $0x3  }
0xef: {  	v5 =	vlaneseq.u32 @!p0;
	v3 =	vand.u32 @!p0 $0x7, v3;
	v4 =	vand.u32 @!p0 $0xFFFFFFC0, v4  }
0xf0: {  	v6 =	vshrl.u32 @!p0 v5, $0x3;
	v3 =	vor.u32 @!p0 v3, v4;
	v4 =	vand.u32 @!p0 $0x7, v5  }
0xf1: {  	v6 =	vmul.u32 @!p0 $0x8, v6;
	v4 =	vperm.xlane @!p0 v3, v4;
	_ =	sdelay $0x1  }
0xf2: {  	v4 =	vadd.s32 @!p0 v6, v4;
	_ =	sdelay $0x3  }
0xf3: {  	s19 =	simm.s32 @!p0 $0x4200;
	s15 =	simm.s32 @!p0 $0x0  }
0xf4: {  	v5 =	vor.u32 @!p0 $0x8, v5;
	[tilespmem:s19], [sflag:$0x2] =	stream.indirect_vreg.gather @!p0 [hbm4b:s1+s15], $0x80, v4, vm1, $0xb8;
	[tilespmem:$0x18200] =	vst v63  }
0xf5: {  	v3 =	vperm.xlane @!p0 v3, v5;
	s19 =	simm.s32 @!p0 $0x4A00  }
0xf6: {  	[tilespmem:s19], [sflag:$0x2] =	stream.indirect_vreg.gather @!p0 [hbm4b:s7+s15], $0x80, v4, vm1, $0xb8;
	[tilespmem:$0x18200] =	vst v63  }
0xf7: {  	v3 =	vadd.s32 @!p0 v6, v3;
	s19 =	simm.s32 @!p0 $0x5200  }
0xf8: {  	[tilespmem:s19], [sflag:$0x2] =	stream.indirect_vreg.gather @!p0 [hbm4b:s8+s15], $0x80, v4, vm1, $0xb8;
	[tilespmem:$0x18200] =	vst v63  }
0xf9: {  	s19 =	simm.s32 @!p0 $0x5A00  }
0xfa: {  	[tilespmem:s19], [sflag:$0x2] =	stream.indirect_vreg.gather @!p0 [hbm4b:s9+s15], $0x80, v4, vm1, $0xb8;
	[tilespmem:$0x18200] =	vst v63  }
0xfb: {  	s19 =	simm.s32 @!p0 $0x6200  }
0xfc: {  	[tilespmem:s19], [sflag:$0x2] =	stream.indirect_vreg.gather @!p0 [hbm4b:s1+s15], $0x80, v3, vm1, $0xb8;
	[tilespmem:$0x18200] =	vst v63  }
0xfd: {  	s19 =	simm.s32 @!p0 $0x6A00  }
0xfe: {  	[tilespmem:s19], [sflag:$0x2] =	stream.indirect_vreg.gather @!p0 [hbm4b:s7+s15], $0x80, v3, vm1, $0xb8;
	[tilespmem:$0x18200] =	vst v63  }
0xff: {  	s19 =	simm.s32 @!p0 $0x7200  }
0x100: {  	[tilespmem:s19], [sflag:$0x2] =	stream.indirect_vreg.gather @!p0 [hbm4b:s8+s15], $0x80, v3, vm1, $0xb8;
	[tilespmem:$0x18200] =	vst v63  }
0x101: {  	s19 =	simm.s32 @!p0 $0x7A00  }
0x102: {  	[tilespmem:s19], [sflag:$0x2] =	stream.indirect_vreg.gather @!p0 [hbm4b:s9+s15], $0x80, v3, vm1, $0xb8;
	[tilespmem:$0x18200] =	vst v63  }
0x103: {  	_ =	swait.ge [sflag:s13], $0x4000  }
0x104: {  	s24 =	simm.s32 $0x0;
	[sflag:s13] =	ssyncset.done $0x0  }
0x105: {  	s25 =	simm.s32 $0x0;
	s26 =	simm.s32 $0x0;
	[sflag:s13] =	ssyncadd.s32 $0xFFFFC000  }
0x106: {  	s19 =	sand.u32 $0x2000, s25;
	s15 =	sand.u32 $0x1C00, s24;
	_ =	swait.ge [sflag:s16], $0x4000  }
0x107: {  	s22 =	sand.u32 $0x380, s26;
	s15 =	sor.u32 s15, s19;
	[sflag:s16] =	ssyncset.done $0x0  }
0x108: {  	s19 =	sor.u32 s22, s15;
	[sflag:s16] =	ssyncadd.s32 $0xFFFFC000  }
0x109: {  	v3 =	vld [tilespmem:s19+$0x8270]  }
0x10a: {  	v4 =	vld [tilespmem:s19+$0x8200]  }
0x10b: {  	v5 =	vld [tilespmem:s19+$0x8210]  }
0x10c: {  	v6 =	vld [tilespmem:s19+$0x8220]  }
0x10d: {  	s23 =	simm.s32 $0x400;
	s24 =	simm.s32 $0x80;
	v8 =	vld [tilespmem:s19+$0x8230]  }
0x10e: {  	s25 =	simm.s32 $0x10;
	s21 =	sand.u32 $0x2000, s24;
	s15 =	sand.u32 $0x1C00, s23;
	v9 =	vld [tilespmem:s19+$0x8240];
	v3 =	vmul.f32 $3.200000000e+01, v3  }
0x10f: {  	s26 =	sand.u32 $0x380, s25;
	s15 =	sor.u32 s15, s21;
	v10 =	vld [tilespmem:s19+$0x8250];
	v4 =	vmul.f32 $3.200000000e+01, v4  }
0x110: {  	s15 =	sor.u32 s26, s15;
	v11 =	vld [tilespmem:s19+$0x8260];
	[tilespmem:s19+$0x10270] =	vst v3;
	v3 =	vmul.f32 $3.200000000e+01, v5  }
0x111: {  	v6 =	vmul.f32 $3.200000000e+01, v6;
	v7 =	vld [tilespmem:s15+$0x8270];
	[tilespmem:s19+$0x10200] =	vst v4  }
0x112: {  	v8 =	vmul.f32 $3.200000000e+01, v8;
	v5 =	vld [tilespmem:s15+$0x8200];
	[tilespmem:s19+$0x10210] =	vst v3  }
0x113: {  	v9 =	vmul.f32 $3.200000000e+01, v9;
	v4 =	vld [tilespmem:s15+$0x8210];
	[tilespmem:s19+$0x10220] =	vst v6  }
0x114: {  	s24 =	simm.s32 $0x100;
	v3 =	vld [tilespmem:s15+$0x8220];
	[tilespmem:s19+$0x10230] =	vst v8;
	v8 =	vmul.f32 $3.200000000e+01, v10  }
0x115: {  	s23 =	simm.s32 $0x20;
	s22 =	simm.s32 $0x3;
	s21 =	simm.s32 $0x800;
	v6 =	vld [tilespmem:s15+$0x8230];
	[tilespmem:s19+$0x10240] =	vst v9;
	v9 =	vmul.f32 $3.200000000e+01, v11  }
.LBB2_7:
0x116: {  	p1 =	sne.s32 s22, $0x7F;
	s24 =	sand.u32 $0x2000, s24;
	s25 =	sand.u32 $0x1C00, s21;
	v10 =	vld [tilespmem:s15+$0x8240];
	v7 =	vmul.f32 $3.200000000e+01, v7;
	[tilespmem:s19+$0x10250] =	vst v8  }
0x117: {  	s23 =	sand.u32 $0x380, s23;
	s24 =	sor.u32 s25, s24;
	v5 =	vmul.f32 $3.200000000e+01, v5;
	v8 =	vld [tilespmem:s15+$0x8250];
	[tilespmem:s19+$0x10260] =	vst v9;
	s19 =	smov.u32 s15  }
0x118: {  	s15 =	sor.u32 s23, s24;
	v4 =	vmul.f32 $3.200000000e+01, v4;
	v9 =	vld [tilespmem:s19+$0x8260];
	[tilespmem:s19+$0x10270] =	vst v7  }
.Ltmp4:
0x119: {  	v7 =	vld [tilespmem:s15+$0x8270];
	[tilespmem:s19+$0x10200] =	vst v5;
	v3 =	vmul.f32 $3.200000000e+01, v3;
	(pc) =	sbr.rel @p1 .LBB2_7-.Ltmp4, $4  }
0x11a: {  	v5 =	vld [tilespmem:s15+$0x8200];
	[tilespmem:s19+$0x10210] =	vst v4;
	v6 =	vmul.f32 $3.200000000e+01, v6  }
0x11b: {  	v4 =	vld [tilespmem:s15+$0x8210];
	[tilespmem:s19+$0x10220] =	vst v3;
	v10 =	vmul.f32 $3.200000000e+01, v10  }
0x11c: {  	s21 =	sadd.s32 $0x400, s21;
	v3 =	vld [tilespmem:s15+$0x8220];
	[tilespmem:s19+$0x10230] =	vst v6;
	v8 =	vmul.f32 $3.200000000e+01, v8  }
0x11d: {  	s24 =	sshll.u32 s22, $0x7;
	s23 =	sshll.u32 s22, $0x4;
	s22 =	sadd.s32 $0x1, s22;
	v6 =	vld [tilespmem:s15+$0x8230];
	[tilespmem:s19+$0x10240] =	vst v10;
	v9 =	vmul.f32 $3.200000000e+01, v9  }
0x11e: {  	v10 =	vld [tilespmem:s15+$0x8240];
	[tilespmem:s19+$0x10250] =	vst v8;
	s22 =	sand.u32 $0x2000, s24;
	s21 =	sand.u32 $0x1C00, s21;
	v7 =	vmul.f32 $3.200000000e+01, v7  }
0x11f: {  	s24 =	sand.u32 $0x380, s23;
	v8 =	vld [tilespmem:s15+$0x8250];
	[tilespmem:s19+$0x10260] =	vst v9;
	s22 =	sor.u32 s21, s22;
	v5 =	vmul.f32 $3.200000000e+01, v5  }
0x120: {  	v9 =	vld [tilespmem:s15+$0x8260];
	s19 =	sor.u32 s24, s22;
	[tilespmem:s15+$0x10270] =	vst v7;
	v4 =	vmul.f32 $3.200000000e+01, v4  }
0x121: {  	v7 =	vld [tilespmem:s19+$0x8270];
	[tilespmem:s15+$0x10200] =	vst v5;
	v3 =	vmul.f32 $3.200000000e+01, v3  }
0x122: {  	v5 =	vld [tilespmem:s19+$0x8200];
	[tilespmem:s15+$0x10210] =	vst v4;
	v6 =	vmul.f32 $3.200000000e+01, v6  }
0x123: {  	v4 =	vld [tilespmem:s19+$0x8210];
	[tilespmem:s15+$0x10220] =	vst v3;
	v10 =	vmul.f32 $3.200000000e+01, v10  }
0x124: {  	v3 =	vld [tilespmem:s19+$0x8220];
	[tilespmem:s15+$0x10230] =	vst v6;
	v8 =	vmul.f32 $3.200000000e+01, v8  }
0x125: {  	v6 =	vld [tilespmem:s19+$0x8230];
	[tilespmem:s15+$0x10240] =	vst v10;
	v9 =	vmul.f32 $3.200000000e+01, v9  }
0x126: {  	v10 =	vld [tilespmem:s19+$0x8240];
	[tilespmem:s15+$0x10250] =	vst v8;
	v7 =	vmul.f32 $3.200000000e+01, v7  }
0x127: {  	v8 =	vld [tilespmem:s19+$0x8250];
	v5 =	vmul.f32 $3.200000000e+01, v5;
	[tilespmem:s15+$0x10260] =	vst v9  }
0x128: {  	v4 =	vmul.f32 $3.200000000e+01, v4;
	v9 =	vld [tilespmem:s19+$0x8260];
	[tilespmem:s19+$0x10270] =	vst v7  }
0x129: {  	[tilespmem:s19+$0x10200] =	vst v5;
	v3 =	vmul.f32 $3.200000000e+01, v3  }
0x12a: {  	[tilespmem:s19+$0x10210] =	vst v4;
	v4 =	vmul.f32 $3.200000000e+01, v6  }
0x12b: {  	s12 =	sshll.u32 s12, $0xA;
	[tilespmem:s19+$0x10220] =	vst v3;
	v3 =	vmul.f32 $3.200000000e+01, v10  }
0x12c: {  	s12 =	sadd.s32 s10, s12;
	[tilespmem:s19+$0x10230] =	vst v4;
	v4 =	vmul.f32 $3.200000000e+01, v8  }
0x12d: {  	s25 =	sadd.s32 $0x8000, s12;
	[tilespmem:s19+$0x10240] =	vst v3;
	v3 =	vmul.f32 $3.200000000e+01, v9  }
0x12e: {  	s15 =	sshrl.u32 s25, $0x3;
	[tilespmem:s19+$0x10250] =	vst v4  }
0x12f: {  	s15 =	sadd.s32 s2, s15;
	[tilespmem:s19+$0x10260] =	vst v3  }
0x130: {  	[hbm4b:s15+s4] =	stream.linear.scatter [tilespmem:s31], [sflag:$0x5], $0x4000, $0x38;
	[tilespmem:$0x18200] =	vst v63  }
0x131: {  	v3 =	vld @!p0 [tilespmem:s6+$0x60];
	_ =	sdelay $0x4  }
0x132: {  	v4 =	vshll.u32 @!p0 v3, $0x3  }
0x133: {  	v5 =	vlaneseq.u32 @!p0;
	v3 =	vand.u32 @!p0 $0x7, v3;
	v4 =	vand.u32 @!p0 $0xFFFFFFC0, v4  }
0x134: {  	v6 =	vshrl.u32 @!p0 v5, $0x3;
	v3 =	vor.u32 @!p0 v3, v4;
	v4 =	vand.u32 @!p0 $0x7, v5  }
0x135: {  	v6 =	vmul.u32 @!p0 $0x8, v6;
	v4 =	vperm.xlane @!p0 v3, v4;
	_ =	sdelay $0x1  }
0x136: {  	v4 =	vadd.s32 @!p0 v6, v4;
	_ =	sdelay $0x3  }
0x137: {  	s15 =	simm.s32 @!p0 $0x8200;
	s6 =	simm.s32 @!p0 $0x0  }
0x138: {  	v5 =	vor.u32 @!p0 $0x8, v5;
	[tilespmem:s15], [sflag:$0x3] =	stream.indirect_vreg.gather @!p0 [hbm4b:s1+s6], $0x80, v4, vm1, $0xb8;
	[tilespmem:$0x18200] =	vst v63  }
0x139: {  	v3 =	vperm.xlane @!p0 v3, v5;
	s15 =	simm.s32 @!p0 $0x8A00  }
0x13a: {  	[tilespmem:s15], [sflag:$0x3] =	stream.indirect_vreg.gather @!p0 [hbm4b:s7+s6], $0x80, v4, vm1, $0xb8;
	[tilespmem:$0x18200] =	vst v63  }
0x13b: {  	v3 =	vadd.s32 @!p0 v6, v3;
	s15 =	simm.s32 @!p0 $0x9200  }
0x13c: {  	[tilespmem:s15], [sflag:$0x3] =	stream.indirect_vreg.gather @!p0 [hbm4b:s8+s6], $0x80, v4, vm1, $0xb8;
	[tilespmem:$0x18200] =	vst v63  }
0x13d: {  	s15 =	simm.s32 @!p0 $0x9A00  }
0x13e: {  	[tilespmem:s15], [sflag:$0x3] =	stream.indirect_vreg.gather @!p0 [hbm4b:s9+s6], $0x80, v4, vm1, $0xb8;
	[tilespmem:$0x18200] =	vst v63  }
0x13f: {  	s15 =	simm.s32 @!p0 $0xA200  }
0x140: {  	[tilespmem:s15], [sflag:$0x3] =	stream.indirect_vreg.gather @!p0 [hbm4b:s1+s6], $0x80, v3, vm1, $0xb8;
	[tilespmem:$0x18200] =	vst v63  }
0x141: {  	s15 =	simm.s32 @!p0 $0xAA00  }
0x142: {  	[tilespmem:s15], [sflag:$0x3] =	stream.indirect_vreg.gather @!p0 [hbm4b:s7+s6], $0x80, v3, vm1, $0xb8;
	[tilespmem:$0x18200] =	vst v63  }
0x143: {  	s15 =	simm.s32 @!p0 $0xB200  }
0x144: {  	[tilespmem:s15], [sflag:$0x3] =	stream.indirect_vreg.gather @!p0 [hbm4b:s8+s6], $0x80, v3, vm1, $0xb8;
	[tilespmem:$0x18200] =	vst v63  }
0x145: {  	s15 =	simm.s32 @!p0 $0xBA00  }
0x146: {  	[tilespmem:s15], [sflag:$0x3] =	stream.indirect_vreg.gather @!p0 [hbm4b:s9+s6], $0x80, v3, vm1, $0xb8;
	[tilespmem:$0x18200] =	vst v63  }
0x147: {  	_ =	swait.ge [sflag:s17], $0x4000  }
0x148: {  	s26 =	simm.s32 $0x0;
	[sflag:s17] =	ssyncset.done $0x0  }
0x149: {  	s21 =	simm.s32 $0x0;
	s19 =	simm.s32 $0x0;
	[sflag:s17] =	ssyncadd.s32 $0xFFFFC000  }
0x14a: {  	s15 =	sand.u32 $0x2000, s19;
	s6 =	sand.u32 $0x1C00, s26;
	_ =	swait.ge [sflag:s18], $0x4000  }
0x14b: {  	s22 =	sand.u32 $0x380, s21;
	s6 =	sor.u32 s6, s15;
	[sflag:s18] =	ssyncset.done $0x0  }
0x14c: {  	s15 =	sor.u32 s22, s6;
	[sflag:s18] =	ssyncadd.s32 $0xFFFFC000  }
0x14d: {  	v3 =	vld [tilespmem:s15+$0xC270]  }
0x14e: {  	v4 =	vld [tilespmem:s15+$0xC200]  }
0x14f: {  	v5 =	vld [tilespmem:s15+$0xC210]  }
0x150: {  	v6 =	vld [tilespmem:s15+$0xC220]  }
0x151: {  	s23 =	simm.s32 $0x400;
	s24 =	simm.s32 $0x80;
	v8 =	vld [tilespmem:s15+$0xC230]  }
0x152: {  	s25 =	simm.s32 $0x10;
	s19 =	sand.u32 $0x2000, s24;
	s6 =	sand.u32 $0x1C00, s23;
	v9 =	vld [tilespmem:s15+$0xC240];
	v3 =	vmul.f32 $3.200000000e+01, v3  }
0x153: {  	s26 =	sand.u32 $0x380, s25;
	s6 =	sor.u32 s6, s19;
	v10 =	vld [tilespmem:s15+$0xC250];
	v4 =	vmul.f32 $3.200000000e+01, v4  }
0x154: {  	s6 =	sor.u32 s26, s6;
	v11 =	vld [tilespmem:s15+$0xC260];
	[tilespmem:s15+$0x14270] =	vst v3;
	v3 =	vmul.f32 $3.200000000e+01, v5  }
0x155: {  	v6 =	vmul.f32 $3.200000000e+01, v6;
	v7 =	vld [tilespmem:s6+$0xC270];
	[tilespmem:s15+$0x14200] =	vst v4  }
0x156: {  	v8 =	vmul.f32 $3.200000000e+01, v8;
	v5 =	vld [tilespmem:s6+$0xC200];
	[tilespmem:s15+$0x14210] =	vst v3  }
0x157: {  	v9 =	vmul.f32 $3.200000000e+01, v9;
	v4 =	vld [tilespmem:s6+$0xC210];
	[tilespmem:s15+$0x14220] =	vst v6  }
0x158: {  	s21 =	simm.s32 $0x3;
	v3 =	vld [tilespmem:s6+$0xC220];
	[tilespmem:s15+$0x14230] =	vst v8;
	v8 =	vmul.f32 $3.200000000e+01, v10  }
0x159: {  	s23 =	simm.s32 $0x100;
	s22 =	simm.s32 $0x20;
	s19 =	simm.s32 $0x800;
	v6 =	vld [tilespmem:s6+$0xC230];
	[tilespmem:s15+$0x14240] =	vst v9;
	v9 =	vmul.f32 $3.200000000e+01, v11  }
.LBB2_9:
0x15a: {  	p1 =	sne.s32 s21, $0x7F;
	s23 =	sand.u32 $0x2000, s23;
	s24 =	sand.u32 $0x1C00, s19;
	v10 =	vld [tilespmem:s6+$0xC240];
	v7 =	vmul.f32 $3.200000000e+01, v7;
	[tilespmem:s15+$0x14250] =	vst v8  }
0x15b: {  	s22 =	sand.u32 $0x380, s22;
	s23 =	sor.u32 s24, s23;
	v5 =	vmul.f32 $3.200000000e+01, v5;
	v8 =	vld [tilespmem:s6+$0xC250];
	[tilespmem:s15+$0x14260] =	vst v9;
	s15 =	smov.u32 s6  }
0x15c: {  	s6 =	sor.u32 s22, s23;
	v4 =	vmul.f32 $3.200000000e+01, v4;
	v9 =	vld [tilespmem:s15+$0xC260];
	[tilespmem:s15+$0x14270] =	vst v7  }
.Ltmp5:
0x15d: {  	v7 =	vld [tilespmem:s6+$0xC270];
	[tilespmem:s15+$0x14200] =	vst v5;
	v3 =	vmul.f32 $3.200000000e+01, v3;
	(pc) =	sbr.rel @p1 .LBB2_9-.Ltmp5, $4  }
0x15e: {  	v5 =	vld [tilespmem:s6+$0xC200];
	[tilespmem:s15+$0x14210] =	vst v4;
	v6 =	vmul.f32 $3.200000000e+01, v6  }
0x15f: {  	v4 =	vld [tilespmem:s6+$0xC210];
	[tilespmem:s15+$0x14220] =	vst v3;
	v10 =	vmul.f32 $3.200000000e+01, v10  }
0x160: {  	s19 =	sadd.s32 $0x400, s19;
	v3 =	vld [tilespmem:s6+$0xC220];
	[tilespmem:s15+$0x14230] =	vst v6;
	v8 =	vmul.f32 $3.200000000e+01, v8  }
0x161: {  	s23 =	sshll.u32 s21, $0x7;
	s22 =	sshll.u32 s21, $0x4;
	s21 =	sadd.s32 $0x1, s21;
	v6 =	vld [tilespmem:s6+$0xC230];
	[tilespmem:s15+$0x14240] =	vst v10;
	v9 =	vmul.f32 $3.200000000e+01, v9  }
0x162: {  	v10 =	vld [tilespmem:s6+$0xC240];
	[tilespmem:s15+$0x14250] =	vst v8;
	s21 =	sand.u32 $0x2000, s23;
	s19 =	sand.u32 $0x1C00, s19;
	v7 =	vmul.f32 $3.200000000e+01, v7  }
0x163: {  	s25 =	sand.u32 $0x380, s22;
	v8 =	vld [tilespmem:s6+$0xC250];
	[tilespmem:s15+$0x14260] =	vst v9;
	s24 =	sor.u32 s19, s21;
	v5 =	vmul.f32 $3.200000000e+01, v5  }
0x164: {  	v9 =	vld [tilespmem:s6+$0xC260];
	s15 =	sor.u32 s25, s24;
	[tilespmem:s6+$0x14270] =	vst v7;
	v4 =	vmul.f32 $3.200000000e+01, v4  }
0x165: {  	v7 =	vld [tilespmem:s15+$0xC270];
	[tilespmem:s6+$0x14200] =	vst v5;
	v3 =	vmul.f32 $3.200000000e+01, v3  }
0x166: {  	v5 =	vld [tilespmem:s15+$0xC200];
	[tilespmem:s6+$0x14210] =	vst v4;
	v6 =	vmul.f32 $3.200000000e+01, v6  }
0x167: {  	v4 =	vld [tilespmem:s15+$0xC210];
	[tilespmem:s6+$0x14220] =	vst v3;
	v10 =	vmul.f32 $3.200000000e+01, v10  }
0x168: {  	v3 =	vld [tilespmem:s15+$0xC220];
	[tilespmem:s6+$0x14230] =	vst v6;
	v8 =	vmul.f32 $3.200000000e+01, v8  }
0x169: {  	v6 =	vld [tilespmem:s15+$0xC230];
	[tilespmem:s6+$0x14240] =	vst v10;
	v9 =	vmul.f32 $3.200000000e+01, v9  }
0x16a: {  	v10 =	vld [tilespmem:s15+$0xC240];
	[tilespmem:s6+$0x14250] =	vst v8;
	v7 =	vmul.f32 $3.200000000e+01, v7  }
0x16b: {  	v8 =	vld [tilespmem:s15+$0xC250];
	v5 =	vmul.f32 $3.200000000e+01, v5;
	[tilespmem:s6+$0x14260] =	vst v9  }
0x16c: {  	v4 =	vmul.f32 $3.200000000e+01, v4;
	v9 =	vld [tilespmem:s15+$0xC260];
	[tilespmem:s15+$0x14270] =	vst v7  }
0x16d: {  	[tilespmem:s15+$0x14200] =	vst v5;
	v3 =	vmul.f32 $3.200000000e+01, v3  }
0x16e: {  	[tilespmem:s15+$0x14210] =	vst v4;
	v62 =	vmul.f32 $3.200000000e+01, v6  }
0x16f: {  	[tilespmem:s15+$0x14220] =	vst v3;
	v3 =	vmul.f32 $3.200000000e+01, v10  }
.Ltmp6:
0x170: {  	[tilespmem:s15+$0x14230] =	vst v62;
	v63 =	vmul.f32 $3.200000000e+01, v8;
	(pc) =	sbr.rel @p0 .LBB2_12-.Ltmp6, $4  }
0x171: {  	s26 =	sadd.s32 $0xC000, s12;
	[tilespmem:s15+$0x14240] =	vst v3;
	v3 =	vmul.f32 $3.200000000e+01, v9  }
0x172: {  	s6 =	sshrl.u32 s26, $0x3;
	[tilespmem:s15+$0x14250] =	vst v63  }
0x173: {  	s6 =	sadd.s32 s2, s6;
	[tilespmem:s15+$0x14260] =	vst v3  }
0x174: {  	[hbm4b:s6+s4] =	stream.linear.scatter [tilespmem:s3], [sflag:$0x6], $0x4000, $0x38;
	[tilespmem:$0x18200] =	vst v63  }
0x175: {  	s6 =	sshrl.u32 s14, $0x2  }
0x176: {  	v3 =	vld [tilespmem:s6+$0x70];
	_ =	sdelay $0x4  }
0x177: {  	v4 =	vshll.u32 v3, $0x3  }
0x178: {  	v3 =	vand.u32 $0x7, v3;
	v4 =	vand.u32 $0xFFFFFFC0, v4  }
0x179: {  	v3 =	vor.u32 v3, v4  }
0x17a: {  	v4 =	vperm.xlane v3, v0;
	_ =	sdelay $0x1  }
0x17b: {  	v4 =	vadd.s32 v1, v4;
	_ =	sdelay $0x3  }
0x17c: {  	s21 =	simm.s32 $0xC200  }
0x17d: {  	[tilespmem:s21], [sflag:$0x4] =	stream.indirect_vreg.gather [hbm4b:s1+s4], $0x80, v4, vm0, $0xb8;
	[tilespmem:$0x18200] =	vst v63  }
0x17e: {  	s22 =	simm.s32 $0xCA00;
	v3 =	vperm.xlane v3, v2  }
0x17f: {  	[tilespmem:s22], [sflag:$0x4] =	stream.indirect_vreg.gather [hbm4b:s7+s4], $0x80, v4, vm0, $0xb8;
	[tilespmem:$0x18200] =	vst v63  }
0x180: {  	s23 =	simm.s32 $0xD200;
	v3 =	vadd.s32 v1, v3  }
0x181: {  	[tilespmem:s23], [sflag:$0x4] =	stream.indirect_vreg.gather [hbm4b:s8+s4], $0x80, v4, vm0, $0xb8;
	[tilespmem:$0x18200] =	vst v63  }
0x182: {  	s24 =	simm.s32 $0xDA00  }
0x183: {  	[tilespmem:s24], [sflag:$0x4] =	stream.indirect_vreg.gather [hbm4b:s9+s4], $0x80, v4, vm0, $0xb8;
	[tilespmem:$0x18200] =	vst v63  }
0x184: {  	s25 =	simm.s32 $0xE200  }
0x185: {  	[tilespmem:s25], [sflag:$0x4] =	stream.indirect_vreg.gather [hbm4b:s1+s4], $0x80, v3, vm0, $0xb8;
	[tilespmem:$0x18200] =	vst v63  }
0x186: {  	s26 =	simm.s32 $0xEA00  }
0x187: {  	[tilespmem:s26], [sflag:$0x4] =	stream.indirect_vreg.gather [hbm4b:s7+s4], $0x80, v3, vm0, $0xb8;
	[tilespmem:$0x18200] =	vst v63  }
.Ltmp7:
0x188: {  	_ = 	snop;
	(pc) =	sbr.rel .LBB2_2-.Ltmp7, $4  }
0x189: {  	_ = 	snop  }
0x18a: {  	[tilespmem:s28], [sflag:$0x4] =	stream.indirect_vreg.gather [hbm4b:s8+s4], $0x80, v3, vm0, $0xb8;
	[tilespmem:$0x18200] =	vst v63  }
0x18b: {  	s20 =	sadd.s32 $0x1, s20  }
0x18c: {  	[tilespmem:s29], [sflag:$0x4] =	stream.indirect_vreg.gather [hbm4b:s9+s4], $0x80, v3, vm0, $0xb8;
	[tilespmem:$0x18200] =	vst v63  }
.LBB2_13:
0x18d: {  	_ =	sfence.sel $0x180000  }
0x18e: {  	[bflag:$0x0] =	sbarrier.arrive $0xFFFF  }
0x18f: {  	_ =	strace $0x90000047  }
0x190: {  	s0 =	stileid.u32;
	[bflag:$0x2] =	sbarrier.arrive $0xFFFF  }
0x191: {  	p0 =	sne.s32 s0, $0x0;
	s0 =	rddreg [dreg:$0x3]  }
0x192: {  	s0 =	sadd.s32 @!p0 $0x100000, s0  }
0x193: {  	[sflag:s0] =	ssyncadd.tile.s32 @!p0 $0x1;
	_ =	shalt  }
.Lfunc_end2:
_tile_overlayer_lowered:
.L_overlay_start_2:
0x194: {  	(tag) =	ssettag $0x2  }
0x195: {  	s0 =	rddreg [dreg:$0x0];
	s2 =	stileid.u32  }
0x196: {  	s1 =	rddreg [dreg:$0x1];
	p0 =	sne.s32 s2, $0x0  }
0x197: {  	s3 =	rddreg [dreg:$0x2];
	[bflag:$0x3] =	sbarrier.arrive $0xFFFF;
	s2 =	simm.s32 @!p0 $0x1C07  }
0x198: {  	[timem:s3], [sflag:s2] =	dma.local @!p0 [hbm:s0], s1  }
0x199: {  	s0 =	simm.s32 @!p0 $0x7  }
0x19a: {  	_ =	swait.ge @!p0 [sflag:s0], s1  }
0x19b: {  	s1 =	ssub.s32 @!p0 $0x0, s1;
	[sflag:s0] =	ssyncset.done @!p0 $0x0  }
0x19c: {  	[sflag:s0] =	ssyncadd.s32 @!p0 s1  }
0x19d: {  	[bflag:$0x3] =	sbarrier.arrive $0xFFFF  }
0x19e: {  	_ =	shalt  }

</sc_bundles>
